<compile_context>
chip_gen: v7x
topology: tpu7x:2x2x1
jax: 0.10.2.dev20260603
libtpu: 0.0.44.dev20260713+nightly
codegen_flags: <defaults>
</compile_context>

<pallas_src>
import functools

import jax
import jax.numpy as jnp
from jax import lax
from jax.experimental import pallas as pl
from jax.experimental.pallas import tpu as pltpu
from jax.experimental.pallas import tpu_sc as plsc

NC = 2
NS = 16
NW = NC * NS
K = 128
NB = 2
L = 16


def _make_deg_kernel(n_nodes, n_edges):
    ept = n_edges // NW

    mesh = plsc.VectorSubcoreMesh(core_axis_name="c", subcore_axis_name="s")

    @functools.partial(
        pl.kernel,
        out_type=jax.ShapeDtypeStruct((NW * n_nodes,), jnp.float32),
        mesh=mesh,
        scratch_types=[
            pltpu.VMEM((ept,), jnp.int32),
            pltpu.VMEM((n_nodes,), jnp.float32),
        ],
        compiler_params=pltpu.CompilerParams(needs_layout_passes=False),
    )
    def deg_kernel(dst_hbm, zeros_hbm, out_hbm, dstv, degl):
        c = lax.axis_index("c")
        s = lax.axis_index("s")
        w = c * NS + s
        pltpu.sync_copy(zeros_hbm, degl)
        pltpu.sync_copy(dst_hbm.at[pl.ds(w * ept, ept)], dstv)
        ones = jnp.full((L,), 1.0, jnp.float32)

        def body(i, carry):
            idx = dstv[pl.ds(i * L, L)]
            plsc.addupdate_scatter(degl, [idx], ones)
            return carry

        lax.fori_loop(0, ept // L, body, 0)
        pltpu.sync_copy(degl, out_hbm.at[pl.ds(w * n_nodes, n_nodes)])

    return deg_kernel


def _make_agg_kernel(n_nodes, n_edges, width):
    ept = n_edges // NW
    chunks = ept // K
    kt = ept - chunks * K
    rows_pt = (n_nodes // NS) // 8 * 8
    tail = n_nodes - NS * rows_pt

    mesh = plsc.VectorSubcoreMesh(core_axis_name="c", subcore_axis_name="s")

    @functools.partial(
        pl.kernel,
        out_type=jax.ShapeDtypeStruct((NC, n_nodes, width), jnp.float32),
        mesh=mesh,
        scratch_types=[
            pltpu.VMEM((NB, K), jnp.int32),
            pltpu.VMEM((NB, K), jnp.int32),
            pltpu.VMEM((NB, K, width), jnp.float32),
            pltpu.VMEM((max(kt, 8),), jnp.int32),
            pltpu.VMEM((max(kt, 8),), jnp.int32),
            pltpu.VMEM_SHARED((n_nodes, width), jnp.float32),
            pltpu.SemaphoreType.DMA((NB,)),
        ],
    )
    def agg_kernel(vals_hbm, src_hbm, dst_hbm, zeros_hbm, out_hbm,
                   srcv, dstv, rowsv, srct, dstt, acc, sems):
        c = lax.axis_index("c")
        s = lax.axis_index("s")
        ebase = (c * NS + s) * ept
        rbase = s * rows_pt
        pltpu.sync_copy(zeros_hbm.at[pl.ds(0, rows_pt)],
                        acc.at[pl.ds(rbase, rows_pt)])

        @pl.when(s == 0)
        def _():
            pltpu.sync_copy(zeros_hbm.at[pl.ds(0, tail)],
                            acc.at[pl.ds(NS * rows_pt, tail)])

        plsc.subcore_barrier()

        def load_and_gather(t, b):
            off = ebase + t * K
            pltpu.sync_copy(src_hbm.at[pl.ds(off, K)], srcv.at[b])
            pltpu.sync_copy(dst_hbm.at[pl.ds(off, K)], dstv.at[b])
            pltpu.async_copy(vals_hbm.at[srcv.at[b]], rowsv.at[b], sems.at[b])

        for t in range(NB):
            load_and_gather(t, t)

        def body(j, carry):
            b = lax.rem(j, NB)
            pltpu.make_async_copy(vals_hbm.at[srcv.at[b]], rowsv.at[b],
                                  sems.at[b]).wait()
            pltpu.sync_copy(rowsv.at[b], acc.at[dstv.at[b]], add=True)
            nxt = j + NB

            @pl.when(nxt < chunks)
            def _():
                load_and_gather(nxt, b)

            return carry

        lax.fori_loop(0, chunks, body, 0)

        if kt:
            toff = ebase + chunks * K
            pltpu.sync_copy(src_hbm.at[pl.ds(toff, kt)], srct)
            pltpu.sync_copy(dst_hbm.at[pl.ds(toff, kt)], dstt)
            pltpu.async_copy(vals_hbm.at[srct], rowsv.at[0, pl.ds(0, kt)],
                             sems.at[0]).wait()
            pltpu.sync_copy(rowsv.at[0, pl.ds(0, kt)], acc.at[dstt], add=True)

        plsc.subcore_barrier()
        pltpu.sync_copy(acc.at[pl.ds(rbase, rows_pt)],
                        out_hbm.at[c, pl.ds(rbase, rows_pt)])

        @pl.when(s == 0)
        def _():
            pltpu.sync_copy(acc.at[pl.ds(NS * rows_pt, tail)],
                            out_hbm.at[c, pl.ds(NS * rows_pt, tail)])

    return agg_kernel


def _make_vec2_kernel(n_nodes, n_pad, n_edges):
    ept = n_edges // NW

    mesh = plsc.VectorSubcoreMesh(core_axis_name="c", subcore_axis_name="s")

    @functools.partial(
        pl.kernel,
        out_type=jax.ShapeDtypeStruct((NW, 2, n_pad), jnp.float32),
        mesh=mesh,
        scratch_types=[
            pltpu.VMEM((ept,), jnp.int32),
            pltpu.VMEM((ept,), jnp.int32),
            pltpu.VMEM((2, n_pad), jnp.float32),
            pltpu.VMEM((2, n_pad), jnp.float32),
        ],
        compiler_params=pltpu.CompilerParams(needs_layout_passes=False),
    )
    def vec2_kernel(qt_hbm, src_hbm, dst_hbm, zeros2_hbm, out_hbm,
                    srcv, dstv, tab, accl):
        c = lax.axis_index("c")
        s = lax.axis_index("s")
        w = c * NS + s
        pltpu.sync_copy(zeros2_hbm, accl)
        pltpu.sync_copy(qt_hbm, tab)
        pltpu.sync_copy(src_hbm.at[pl.ds(w * ept, ept)], srcv)
        pltpu.sync_copy(dst_hbm.at[pl.ds(w * ept, ept)], dstv)
        zero16 = jnp.zeros((L,), jnp.int32)
        one16 = jnp.full((L,), 1, jnp.int32)

        def body(i, carry):
            src16 = srcv[pl.ds(i * L, L)]
            dst16 = dstv[pl.ds(i * L, L)]
            v0 = plsc.load_gather(tab, [zero16, src16])
            plsc.addupdate_scatter(accl, [zero16, dst16], v0)
            v1 = plsc.load_gather(tab, [one16, src16])
            plsc.addupdate_scatter(accl, [one16, dst16], v1)
            return carry

        lax.fori_loop(0, ept // L, body, 0)
        pltpu.sync_copy(accl, out_hbm.at[w])

    return vec2_kernel


def _dinv(degp_blk):
    deg = 1.0 + jnp.sum(degp_blk, axis=0)
    return lax.rsqrt(deg)[:, None]


def _tc1_body(x_ref, w1_ref, dp_ref, hs_ref):
    d = _dinv(dp_ref[...])
    h = jnp.dot(x_ref[...], w1_ref[...], preferred_element_type=jnp.float32)
    hs_ref[...] = h * d


def _tc2_body(a0_ref, a1_ref, hs_ref, dp_ref, w2_ref, b1_ref, out_ref):
    d = _dinv(dp_ref[...])
    z = jnp.maximum(d * (a0_ref[...] + a1_ref[...] + hs_ref[...]) + b1_ref[...],
                    0.0)
    qt = lax.dot_general(w2_ref[...], z, (((0,), (1,)), ((), ())),
                         preferred_element_type=jnp.float32)
    out_ref[...] = qt * d.reshape(1, -1)


def _tc3_body(ap_ref, qt_ref, dp_ref, b2_ref, out_ref):
    d = _dinv(dp_ref[...])
    agg2 = jnp.sum(ap_ref[...].reshape(NW, 2, -1), axis=0)
    out_t = d.reshape(1, -1) * (agg2 + qt_ref[...]) + b2_ref[...]
    out_ref[...] = out_t.T


def kernel(x, edge_index, W1, b1, W2, b2):
    n, dx = x.shape
    e = edge_index.shape[1]
    h = W1.shape[1]
    c_out = W2.shape[1]
    src = edge_index[0]
    dst = edge_index[1]

    npad = (n + 1023) // 1024 * 1024
    zeros_n = jnp.zeros((n,), jnp.float32)
    zeros_h = jnp.zeros((n // NS + 8, h), jnp.float32)
    zeros_2p = jnp.zeros((2, npad), jnp.float32)
    b1r = b1.reshape(1, h)
    b2c = b2.reshape(c_out, 1)

    bm = 1024
    grid = (npad // bm,)
    row_blk = lambda w: pl.BlockSpec((bm, w), lambda i: (i, 0))
    col_blk = pl.BlockSpec((2, bm), lambda i: (0, i))
    dp_blk = pl.BlockSpec((NW, bm), lambda i: (0, i))
    full_blk = lambda r, w: pl.BlockSpec((r, w), lambda i: (0, 0))

    deg_p = _make_deg_kernel(n, e)(dst, zeros_n).reshape(NW, n)

    hs1 = pl.pallas_call(
        _tc1_body,
        grid=grid,
        in_specs=[row_blk(dx), full_blk(dx, h), dp_blk],
        out_specs=row_blk(h),
        out_shape=jax.ShapeDtypeStruct((n, h), jnp.float32),
    )(x, W1, deg_p)

    agg = _make_agg_kernel(n, e, h)
    acc1 = agg(hs1, src, dst, zeros_h)

    qt = pl.pallas_call(
        _tc2_body,
        grid=grid,
        in_specs=[row_blk(h), row_blk(h), row_blk(h), dp_blk,
                  full_blk(h, c_out), full_blk(1, h)],
        out_specs=col_blk,
        out_shape=jax.ShapeDtypeStruct((2, npad), jnp.float32),
    )(acc1[0], acc1[1], hs1, deg_p, W2, b1r)

    acc2 = _make_vec2_kernel(n, npad, e)(qt, src, dst, zeros_2p)
    acc2f = acc2.reshape(NW * 2, npad)

    out_t = pl.pallas_call(
        _tc3_body,
        grid=grid,
        in_specs=[pl.BlockSpec((NW * 2, bm), lambda i: (0, i)), col_blk,
                  dp_blk, full_blk(c_out, 1)],
        out_specs=pl.BlockSpec((bm, c_out), lambda i: (i, 0)),
        out_shape=jax.ShapeDtypeStruct((n, c_out), jnp.float32),
    )(acc2f, qt, deg_p, b2c)

    return out_t

# --- scband reference (transcript-rebuilt; emitter-appended) ---
"""Pipeline reference for scband-gcn-17892833755183 (READ-ONLY COPY).

The authoritative reference and input builder live on the scoring server;
editing this copy changes nothing except your own understanding.
"""

import jax, jax.numpy as jnp
import numpy as np

N = 10000
E = 320000
D = 128
H = 128
C = 2


def gcn_conv(x, edge_index, W, b):
    # PyG GCNConv: add self-loops, symmetric normalization D^-1/2 (A+I) D^-1/2 X W + b
    num_nodes = x.shape[0]
    loop = jnp.arange(num_nodes, dtype=edge_index.dtype)
    src = jnp.concatenate([edge_index[0], loop])
    dst = jnp.concatenate([edge_index[1], loop])
    deg = jnp.zeros((num_nodes,), dtype=x.dtype).at[dst].add(1.0)
    deg_inv_sqrt = jnp.where(deg > 0, jax.lax.rsqrt(jnp.maximum(deg, 1e-12)), 0.0)
    norm = deg_inv_sqrt[src] * deg_inv_sqrt[dst]
    h = x @ W
    msgs = h[src] * norm[:, None]
    out = jnp.zeros((num_nodes, W.shape[1]), dtype=x.dtype).at[dst].add(msgs)
    return out + b


def setup_inputs(seed: int = 0):
    key = jax.random.key(seed)
    k1, k2, k3, k4 = jax.random.split(key, 4)
    x = jax.random.normal(k1, (N, D), dtype=jnp.float32)
    edge_index = jax.random.randint(k2, (2, E), 0, N, dtype=jnp.int32)
    # glorot-style init for GCNConv weights, zero bias (PyG default)
    W1 = jax.random.uniform(k3, (D, H), dtype=jnp.float32, minval=-1.0, maxval=1.0) * np.sqrt(6.0 / (D + H))
    b1 = jnp.zeros((H,), dtype=jnp.float32)
    W2 = jax.random.uniform(k4, (H, C), dtype=jnp.float32, minval=-1.0, maxval=1.0) * np.sqrt(6.0 / (H + C))
    b2 = jnp.zeros((C,), dtype=jnp.float32)
    return {"x": x, "edge_index": edge_index, "W1": W1, "b1": b1, "W2": W2, "b2": b2}


def reference(x, edge_index, W1, b1, W2, b2):
    h = gcn_conv(x, edge_index, W1, b1)
    h = jax.nn.relu(h)
    # F.dropout(p=0.5) is identity in eval mode (deterministic reference)
    out = gcn_conv(h, edge_index, W2, b2)
    return out

if __name__ == "__main__":
    import jax
    _d = setup_inputs()
    print(jax.jit(kernel)(*tuple(_d.values())))

</pallas_src>

<mosaic_0001>
#map = affine_map<(d0, d1) -> (0)>
module attributes {stable_mosaic.version = 14 : i64} {
  func.func @deg_kernel(%arg0: i32, %arg1: i32, %arg2: memref<320000xi32, #tpu.memory_space<hbm>>, %arg3: memref<10000xf32, #tpu.memory_space<hbm>>, %arg4: memref<320000xf32, #tpu.memory_space<hbm>>, %arg5: memref<10000xi32, #tpu.memory_space<vmem>>, %arg6: memref<10000xf32, #tpu.memory_space<vmem>>) attributes {dimension_semantics = [#tpu.dimension_semantics<core_parallel>, #tpu.dimension_semantics<subcore_parallel>], iteration_bounds = array<i64: 2, 16>, scalar_prefetch = 0 : i64, scratch_operands = 2 : i64, tpu.core_type = #tpu.core_type<sc_vector_subcore>, window_params = [{transform_indices = #map}, {transform_indices = #map}, {transform_indices = #map}]} {
    %mul3A = arith.constant 16 : i32
    %mul3A_0 = arith.muli %arg0, %mul3A : i32
    %add3A = arith.addi %mul3A_0, %arg1 : i32
    "tpu.region"() ({
      %run_scoped3A = tpu.sem_alloc : memref<!tpu.dma_semaphore, #tpu.memory_space<semaphore_mem>>
      tpu.enqueue_dma source(%arg3 : memref<10000xf32, #tpu.memory_space<hbm>>) target(%arg6 : memref<10000xf32, #tpu.memory_space<vmem>>) target_semaphore(%run_scoped3A : memref<!tpu.dma_semaphore, #tpu.memory_space<semaphore_mem>>)
      tpu.wait_dma2 semaphore(%run_scoped3A : memref<!tpu.dma_semaphore, #tpu.memory_space<semaphore_mem>>) src(%arg3 : memref<10000xf32, #tpu.memory_space<hbm>>) dst(%arg6 : memref<10000xf32, #tpu.memory_space<vmem>>)
      tpu.yield
    }) : () -> ()
    %mul3A_1 = arith.constant 10000 : i32
    %mul3A_2 = arith.muli %add3A, %mul3A_1 : i32
    "tpu.region"() ({
      %run_scoped3A = tpu.sem_alloc : memref<!tpu.dma_semaphore, #tpu.memory_space<semaphore_mem>>
      %dma_start3A = tpu.memref_slice %arg2[%mul3A_2] : memref<320000xi32, #tpu.memory_space<hbm>> -> memref<10000xi32, #tpu.memory_space<hbm>>
      %dma_start3A_11 = tpu.memref_slice %arg2[%mul3A_2] : memref<320000xi32, #tpu.memory_space<hbm>> -> memref<10000xi32, #tpu.memory_space<hbm>>
      tpu.enqueue_dma source(%dma_start3A_11 : memref<10000xi32, #tpu.memory_space<hbm>>) target(%arg5 : memref<10000xi32, #tpu.memory_space<vmem>>) target_semaphore(%run_scoped3A : memref<!tpu.dma_semaphore, #tpu.memory_space<semaphore_mem>>)
      %dma_wait3A = tpu.memref_slice %arg2[%mul3A_2] : memref<320000xi32, #tpu.memory_space<hbm>> -> memref<10000xi32, #tpu.memory_space<hbm>>
      %dma_wait3A_12 = tpu.memref_slice %arg2[%mul3A_2] : memref<320000xi32, #tpu.memory_space<hbm>> -> memref<10000xi32, #tpu.memory_space<hbm>>
      tpu.wait_dma2 semaphore(%run_scoped3A : memref<!tpu.dma_semaphore, #tpu.memory_space<semaphore_mem>>) src(%dma_wait3A_12 : memref<10000xi32, #tpu.memory_space<hbm>>) dst(%arg5 : memref<10000xi32, #tpu.memory_space<vmem>>)
      tpu.yield
    }) : () -> ()
    %broadcast_in_dim3A = arith.constant 1.000000e+00 : f32
    %broadcast_in_dim3A_3 = vector.broadcast %broadcast_in_dim3A : f32 to vector<16xf32>
    %scan3A = arith.constant 0 : i32
    %scan3A_4 = arith.constant 0 : i32
    %scan3A_5 = arith.constant 625 : i32
    %scan3A_6 = arith.addi %scan3A_4, %scan3A_5 : i32
    %scan3A_7 = arith.constant 1 : i32
    scf.for %scan3A_11 = %scan3A_4 to %scan3A_6 step %scan3A_7  : i32 {
      %mul3A_12 = arith.constant 16 : i32
      %mul3A_13 = arith.muli %scan3A_11, %mul3A_12 : i32
      %get3A = arith.index_cast %mul3A_13 : i32 to index
      %get3A_14 = tpu.vector_load %arg5[%get3A] {strides = array<i32>} : memref<10000xi32, #tpu.memory_space<vmem>>, vector<16xi32>,
      tpu.vector_store_idx %arg6[%get3A_14], %broadcast_in_dim3A_3 {add = true} : memref<10000xf32, #tpu.memory_space<vmem>>[vector<16xi32>], vector<16xf32>,
    }
    %scan3A_8 = arith.constant 625 : i32
    %mul3A_9 = arith.constant 10000 : i32
    %mul3A_10 = arith.muli %add3A, %mul3A_9 : i32
    "tpu.region"() ({
      %run_scoped3A = tpu.sem_alloc : memref<!tpu.dma_semaphore, #tpu.memory_space<semaphore_mem>>
      %dma_start3A = tpu.memref_slice %arg4[%mul3A_10] : memref<320000xf32, #tpu.memory_space<hbm>> -> memref<10000xf32, #tpu.memory_space<hbm>>
      %dma_start3A_11 = tpu.memref_slice %arg4[%mul3A_10] : memref<320000xf32, #tpu.memory_space<hbm>> -> memref<10000xf32, #tpu.memory_space<hbm>>
      tpu.enqueue_dma source(%arg6 : memref<10000xf32, #tpu.memory_space<vmem>>) target(%dma_start3A_11 : memref<10000xf32, #tpu.memory_space<hbm>>) target_semaphore(%run_scoped3A : memref<!tpu.dma_semaphore, #tpu.memory_space<semaphore_mem>>)
      %dma_wait3A = tpu.memref_slice %arg4[%mul3A_10] : memref<320000xf32, #tpu.memory_space<hbm>> -> memref<10000xf32, #tpu.memory_space<hbm>>
      %dma_wait3A_12 = tpu.memref_slice %arg4[%mul3A_10] : memref<320000xf32, #tpu.memory_space<hbm>> -> memref<10000xf32, #tpu.memory_space<hbm>>
      tpu.wait_dma2 semaphore(%run_scoped3A : memref<!tpu.dma_semaphore, #tpu.memory_space<semaphore_mem>>) src(%arg6 : memref<10000xf32, #tpu.memory_space<vmem>>) dst(%dma_wait3A_12 : memref<10000xf32, #tpu.memory_space<hbm>>)
      tpu.yield
    }) : () -> ()
    return
  }
}

#map = affine_map<(d0, d1) -> (0, 0)>
#map1 = affine_map<(d0, d1) -> (0)>
#map2 = affine_map<(d0, d1) -> (0, 0, 0)>
module attributes {stable_mosaic.version = 14 : i64} {
  func.func @vec2_kernel(%arg0: i32, %arg1: i32, %arg2: memref<2x10240xf32, #tpu.memory_space<hbm>>, %arg3: memref<320000xi32, #tpu.memory_space<hbm>>, %arg4: memref<320000xi32, #tpu.memory_space<hbm>>, %arg5: memref<2x10240xf32, #tpu.memory_space<hbm>>, %arg6: memref<32x2x10240xf32, #tpu.memory_space<hbm>>, %arg7: memref<10000xi32, #tpu.memory_space<vmem>>, %arg8: memref<10000xi32, #tpu.memory_space<vmem>>, %arg9: memref<2x10240xf32, #tpu.memory_space<vmem>>, %arg10: memref<2x10240xf32, #tpu.memory_space<vmem>>) attributes {dimension_semantics = [#tpu.dimension_semantics<core_parallel>, #tpu.dimension_semantics<subcore_parallel>], iteration_bounds = array<i64: 2, 16>, scalar_prefetch = 0 : i64, scratch_operands = 4 : i64, tpu.core_type = #tpu.core_type<sc_vector_subcore>, window_params = [{transform_indices = #map}, {transform_indices = #map1}, {transform_indices = #map1}, {transform_indices = #map}, {transform_indices = #map2}]} {
    %mul3A = arith.constant 16 : i32
    %mul3A_0 = arith.muli %arg0, %mul3A : i32
    %add3A = arith.addi %mul3A_0, %arg1 : i32
    "tpu.region"() ({
      %run_scoped3A = tpu.sem_alloc : memref<!tpu.dma_semaphore, #tpu.memory_space<semaphore_mem>>
      tpu.enqueue_dma source(%arg5 : memref<2x10240xf32, #tpu.memory_space<hbm>>) target(%arg10 : memref<2x10240xf32, #tpu.memory_space<vmem>>) target_semaphore(%run_scoped3A : memref<!tpu.dma_semaphore, #tpu.memory_space<semaphore_mem>>)
      tpu.wait_dma2 semaphore(%run_scoped3A : memref<!tpu.dma_semaphore, #tpu.memory_space<semaphore_mem>>) src(%arg5 : memref<2x10240xf32, #tpu.memory_space<hbm>>) dst(%arg10 : memref<2x10240xf32, #tpu.memory_space<vmem>>)
      tpu.yield
    }) : () -> ()
    "tpu.region"() ({
      %run_scoped3A = tpu.sem_alloc : memref<!tpu.dma_semaphore, #tpu.memory_space<semaphore_mem>>
      tpu.enqueue_dma source(%arg2 : memref<2x10240xf32, #tpu.memory_space<hbm>>) target(%arg9 : memref<2x10240xf32, #tpu.memory_space<vmem>>) target_semaphore(%run_scoped3A : memref<!tpu.dma_semaphore, #tpu.memory_space<semaphore_mem>>)
      tpu.wait_dma2 semaphore(%run_scoped3A : memref<!tpu.dma_semaphore, #tpu.memory_space<semaphore_mem>>) src(%arg2 : memref<2x10240xf32, #tpu.memory_space<hbm>>) dst(%arg9 : memref<2x10240xf32, #tpu.memory_space<vmem>>)
      tpu.yield
    }) : () -> ()
    %mul3A_1 = arith.constant 10000 : i32
    %mul3A_2 = arith.muli %add3A, %mul3A_1 : i32
    "tpu.region"() ({
      %run_scoped3A = tpu.sem_alloc : memref<!tpu.dma_semaphore, #tpu.memory_space<semaphore_mem>>
      %dma_start3A = tpu.memref_slice %arg3[%mul3A_2] : memref<320000xi32, #tpu.memory_space<hbm>> -> memref<10000xi32, #tpu.memory_space<hbm>>
      %dma_start3A_13 = tpu.memref_slice %arg3[%mul3A_2] : memref<320000xi32, #tpu.memory_space<hbm>> -> memref<10000xi32, #tpu.memory_space<hbm>>
      tpu.enqueue_dma source(%dma_start3A_13 : memref<10000xi32, #tpu.memory_space<hbm>>) target(%arg7 : memref<10000xi32, #tpu.memory_space<vmem>>) target_semaphore(%run_scoped3A : memref<!tpu.dma_semaphore, #tpu.memory_space<semaphore_mem>>)
      %dma_wait3A = tpu.memref_slice %arg3[%mul3A_2] : memref<320000xi32, #tpu.memory_space<hbm>> -> memref<10000xi32, #tpu.memory_space<hbm>>
      %dma_wait3A_14 = tpu.memref_slice %arg3[%mul3A_2] : memref<320000xi32, #tpu.memory_space<hbm>> -> memref<10000xi32, #tpu.memory_space<hbm>>
      tpu.wait_dma2 semaphore(%run_scoped3A : memref<!tpu.dma_semaphore, #tpu.memory_space<semaphore_mem>>) src(%dma_wait3A_14 : memref<10000xi32, #tpu.memory_space<hbm>>) dst(%arg7 : memref<10000xi32, #tpu.memory_space<vmem>>)
      tpu.yield
    }) : () -> ()
    %mul3A_3 = arith.constant 10000 : i32
    %mul3A_4 = arith.muli %add3A, %mul3A_3 : i32
    "tpu.region"() ({
      %run_scoped3A = tpu.sem_alloc : memref<!tpu.dma_semaphore, #tpu.memory_space<semaphore_mem>>
      %dma_start3A = tpu.memref_slice %arg4[%mul3A_4] : memref<320000xi32, #tpu.memory_space<hbm>> -> memref<10000xi32, #tpu.memory_space<hbm>>
      %dma_start3A_13 = tpu.memref_slice %arg4[%mul3A_4] : memref<320000xi32, #tpu.memory_space<hbm>> -> memref<10000xi32, #tpu.memory_space<hbm>>
      tpu.enqueue_dma source(%dma_start3A_13 : memref<10000xi32, #tpu.memory_space<hbm>>) target(%arg8 : memref<10000xi32, #tpu.memory_space<vmem>>) target_semaphore(%run_scoped3A : memref<!tpu.dma_semaphore, #tpu.memory_space<semaphore_mem>>)
      %dma_wait3A = tpu.memref_slice %arg4[%mul3A_4] : memref<320000xi32, #tpu.memory_space<hbm>> -> memref<10000xi32, #tpu.memory_space<hbm>>
      %dma_wait3A_14 = tpu.memref_slice %arg4[%mul3A_4] : memref<320000xi32, #tpu.memory_space<hbm>> -> memref<10000xi32, #tpu.memory_space<hbm>>
      tpu.wait_dma2 semaphore(%run_scoped3A : memref<!tpu.dma_semaphore, #tpu.memory_space<semaphore_mem>>) src(%dma_wait3A_14 : memref<10000xi32, #tpu.memory_space<hbm>>) dst(%arg8 : memref<10000xi32, #tpu.memory_space<vmem>>)
      tpu.yield
    }) : () -> ()
    %broadcast_in_dim3A = arith.constant 0 : i32
    %broadcast_in_dim3A_5 = vector.broadcast %broadcast_in_dim3A : i32 to vector<16xi32>
    %broadcast_in_dim3A_6 = arith.constant 1 : i32
    %broadcast_in_dim3A_7 = vector.broadcast %broadcast_in_dim3A_6 : i32 to vector<16xi32>
    %scan3A = arith.constant 0 : i32
    %scan3A_8 = arith.constant 0 : i32
    %scan3A_9 = arith.constant 625 : i32
    %scan3A_10 = arith.addi %scan3A_8, %scan3A_9 : i32
    %scan3A_11 = arith.constant 1 : i32
    scf.for %scan3A_13 = %scan3A_8 to %scan3A_10 step %scan3A_11  : i32 {
      %mul3A_14 = arith.constant 16 : i32
      %mul3A_15 = arith.muli %scan3A_13, %mul3A_14 : i32
      %get3A = arith.index_cast %mul3A_15 : i32 to index
      %get3A_16 = tpu.vector_load %arg7[%get3A] {strides = array<i32>} : memref<10000xi32, #tpu.memory_space<vmem>>, vector<16xi32>,
      %mul3A_17 = arith.constant 16 : i32
      %mul3A_18 = arith.muli %scan3A_13, %mul3A_17 : i32
      %get3A_19 = arith.index_cast %mul3A_18 : i32 to index
      %get3A_20 = tpu.vector_load %arg8[%get3A_19] {strides = array<i32>} : memref<10000xi32, #tpu.memory_space<vmem>>, vector<16xi32>,
      %gather3A = tpu.vector_load_idx %arg9[%broadcast_in_dim3A_5, %get3A_16] : memref<2x10240xf32, #tpu.memory_space<vmem>>[vector<16xi32>, vector<16xi32>], vector<16xf32>,
      tpu.vector_store_idx %arg10[%broadcast_in_dim3A_5, %get3A_20], %gather3A {add = true} : memref<2x10240xf32, #tpu.memory_space<vmem>>[vector<16xi32>, vector<16xi32>], vector<16xf32>,
      %gather3A_21 = tpu.vector_load_idx %arg9[%broadcast_in_dim3A_7, %get3A_16] : memref<2x10240xf32, #tpu.memory_space<vmem>>[vector<16xi32>, vector<16xi32>], vector<16xf32>,
      tpu.vector_store_idx %arg10[%broadcast_in_dim3A_7, %get3A_20], %gather3A_21 {add = true} : memref<2x10240xf32, #tpu.memory_space<vmem>>[vector<16xi32>, vector<16xi32>], vector<16xf32>,
    }
    %scan3A_12 = arith.constant 625 : i32
    "tpu.region"() ({
      %run_scoped3A = tpu.sem_alloc : memref<!tpu.dma_semaphore, #tpu.memory_space<semaphore_mem>>
      %dma_start3A = arith.constant 0 : i32
      %dma_start3A_13 = arith.constant 0 : i32
      %dma_start3A_14 = tpu.memref_slice %arg6[%add3A, %dma_start3A, %dma_start3A_13] : memref<32x2x10240xf32, #tpu.memory_space<hbm>> -> memref<1x2x10240xf32, #tpu.memory_space<hbm>>
      %dma_start3A_15 = tpu.memref_squeeze %dma_start3A_14 : memref<1x2x10240xf32, #tpu.memory_space<hbm>> -> memref<2x10240xf32, #tpu.memory_space<hbm>>
      %dma_start3A_16 = arith.constant 0 : i32
      %dma_start3A_17 = arith.constant 0 : i32
      %dma_start3A_18 = tpu.memref_slice %arg6[%add3A, %dma_start3A_16, %dma_start3A_17] : memref<32x2x10240xf32, #tpu.memory_space<hbm>> -> memref<1x2x10240xf32, #tpu.memory_space<hbm>>
      %dma_start3A_19 = tpu.memref_squeeze %dma_start3A_18 : memref<1x2x10240xf32, #tpu.memory_space<hbm>> -> memref<2x10240xf32, #tpu.memory_space<hbm>>
      tpu.enqueue_dma source(%arg10 : memref<2x10240xf32, #tpu.memory_space<vmem>>) target(%dma_start3A_19 : memref<2x10240xf32, #tpu.memory_space<hbm>>) target_semaphore(%run_scoped3A : memref<!tpu.dma_semaphore, #tpu.memory_space<semaphore_mem>>)
      %dma_wait3A = arith.constant 0 : i32
      %dma_wait3A_20 = arith.constant 0 : i32
      %dma_wait3A_21 = tpu.memref_slice %arg6[%add3A, %dma_wait3A, %dma_wait3A_20] : memref<32x2x10240xf32, #tpu.memory_space<hbm>> -> memref<1x2x10240xf32, #tpu.memory_space<hbm>>
      %dma_wait3A_22 = tpu.memref_squeeze %dma_wait3A_21 : memref<1x2x10240xf32, #tpu.memory_space<hbm>> -> memref<2x10240xf32, #tpu.memory_space<hbm>>
      %dma_wait3A_23 = arith.constant 0 : i32
      %dma_wait3A_24 = arith.constant 0 : i32
      %dma_wait3A_25 = tpu.memref_slice %arg6[%add3A, %dma_wait3A_23, %dma_wait3A_24] : memref<32x2x10240xf32, #tpu.memory_space<hbm>> -> memref<1x2x10240xf32, #tpu.memory_space<hbm>>
      %dma_wait3A_26 = tpu.memref_squeeze %dma_wait3A_25 : memref<1x2x10240xf32, #tpu.memory_space<hbm>> -> memref<2x10240xf32, #tpu.memory_space<hbm>>
      tpu.wait_dma2 semaphore(%run_scoped3A : memref<!tpu.dma_semaphore, #tpu.memory_space<semaphore_mem>>) src(%arg10 : memref<2x10240xf32, #tpu.memory_space<vmem>>) dst(%dma_wait3A_26 : memref<2x10240xf32, #tpu.memory_space<hbm>>)
      tpu.yield
    }) : () -> ()
    return
  }
}

#map = affine_map<(d0, d1) -> (0, 0)>
#map1 = affine_map<(d0, d1) -> (0)>
#map2 = affine_map<(d0, d1) -> (0, 0, 0)>
module attributes {stable_mosaic.version = 14 : i64} {
  func.func @agg_kernel(%arg0: i32, %arg1: i32, %arg2: memref<10000x128xf32, #tpu.memory_space<hbm>>, %arg3: memref<320000xi32, #tpu.memory_space<hbm>>, %arg4: memref<320000xi32, #tpu.memory_space<hbm>>, %arg5: memref<633x128xf32, #tpu.memory_space<hbm>>, %arg6: memref<2x10000x128xf32, #tpu.memory_space<hbm>>, %arg7: memref<2x128xi32, #tpu.memory_space<vmem>>, %arg8: memref<2x128xi32, #tpu.memory_space<vmem>>, %arg9: memref<2x128x128xf32, #tpu.memory_space<vmem>>, %arg10: memref<16xi32, #tpu.memory_space<vmem>>, %arg11: memref<16xi32, #tpu.memory_space<vmem>>, %arg12: memref<10000x128xf32, #tpu.memory_space<vmem_shared>>, %arg13: memref<2x!tpu.dma_semaphore, #tpu.memory_space<semaphore_mem>>) attributes {dimension_semantics = [#tpu.dimension_semantics<core_parallel>, #tpu.dimension_semantics<subcore_parallel>], iteration_bounds = array<i64: 2, 16>, scalar_prefetch = 0 : i64, scratch_operands = 7 : i64, tpu.core_type = #tpu.core_type<sc_vector_subcore>, window_params = [{transform_indices = #map}, {transform_indices = #map1}, {transform_indices = #map1}, {transform_indices = #map}, {transform_indices = #map2}]} {
    %mul3A = arith.constant 16 : i32
    %mul3A_0 = arith.muli %arg0, %mul3A : i32
    %add3A = arith.addi %mul3A_0, %arg1 : i32
    %mul3A_1 = arith.constant 10000 : i32
    %mul3A_2 = arith.muli %add3A, %mul3A_1 : i32
    %mul3A_3 = arith.constant 624 : i32
    %mul3A_4 = arith.muli %arg1, %mul3A_3 : i32
    "tpu.region"() ({
      %run_scoped3A_78 = tpu.sem_alloc : memref<!tpu.dma_semaphore, #tpu.memory_space<semaphore_mem>>
      %dma_start3A_79 = arith.constant 0 : i32
      %dma_start3A_80 = tpu.memref_slice %arg12[%mul3A_4, %dma_start3A_79] : memref<10000x128xf32, #tpu.memory_space<vmem_shared>> -> memref<624x128xf32, #tpu.memory_space<vmem_shared>>
      %dma_start3A_81 = arith.constant 0 : i32
      %dma_start3A_82 = arith.constant 0 : i32
      %dma_start3A_83 = tpu.memref_slice %arg5[%dma_start3A_81, %dma_start3A_82] : memref<633x128xf32, #tpu.memory_space<hbm>> -> memref<624x128xf32, #tpu.memory_space<hbm>>
      tpu.enqueue_dma source(%dma_start3A_83 : memref<624x128xf32, #tpu.memory_space<hbm>>) target(%dma_start3A_80 : memref<624x128xf32, #tpu.memory_space<vmem_shared>>) target_semaphore(%run_scoped3A_78 : memref<!tpu.dma_semaphore, #tpu.memory_space<semaphore_mem>>)
      %dma_wait3A_84 = arith.constant 0 : i32
      %dma_wait3A_85 = tpu.memref_slice %arg12[%mul3A_4, %dma_wait3A_84] : memref<10000x128xf32, #tpu.memory_space<vmem_shared>> -> memref<624x128xf32, #tpu.memory_space<vmem_shared>>
      %dma_wait3A_86 = arith.constant 0 : i32
      %dma_wait3A_87 = arith.constant 0 : i32
      %dma_wait3A_88 = tpu.memref_slice %arg5[%dma_wait3A_86, %dma_wait3A_87] : memref<633x128xf32, #tpu.memory_space<hbm>> -> memref<624x128xf32, #tpu.memory_space<hbm>>
      tpu.wait_dma2 semaphore(%run_scoped3A_78 : memref<!tpu.dma_semaphore, #tpu.memory_space<semaphore_mem>>) src(%dma_wait3A_88 : memref<624x128xf32, #tpu.memory_space<hbm>>) dst(%dma_wait3A_85 : memref<624x128xf32, #tpu.memory_space<vmem_shared>>)
      tpu.yield
    }) : () -> ()
    %eq3A = arith.constant 0 : i32
    %eq3A_5 = arith.cmpi eq, %arg1, %eq3A : i32
    %convert_element_type3A = arith.extui %eq3A_5 : i1 to i32
    %cond3A = arith.constant 0 : i32
    %cond3A_6 = arith.cmpi ne, %convert_element_type3A, %cond3A : i32
    scf.if %cond3A_6 {
      "tpu.region"() ({
        %run_scoped3A_78 = tpu.sem_alloc : memref<!tpu.dma_semaphore, #tpu.memory_space<semaphore_mem>>
        %dma_start3A_79 = arith.constant 9984 : i32
        %dma_start3A_80 = arith.constant 0 : i32
        %dma_start3A_81 = tpu.memref_slice %arg12[%dma_start3A_79, %dma_start3A_80] : memref<10000x128xf32, #tpu.memory_space<vmem_shared>> -> memref<16x128xf32, #tpu.memory_space<vmem_shared>>
        %dma_start3A_82 = arith.constant 0 : i32
        %dma_start3A_83 = arith.constant 0 : i32
        %dma_start3A_84 = tpu.memref_slice %arg5[%dma_start3A_82, %dma_start3A_83] : memref<633x128xf32, #tpu.memory_space<hbm>> -> memref<16x128xf32, #tpu.memory_space<hbm>>
        tpu.enqueue_dma source(%dma_start3A_84 : memref<16x128xf32, #tpu.memory_space<hbm>>) target(%dma_start3A_81 : memref<16x128xf32, #tpu.memory_space<vmem_shared>>) target_semaphore(%run_scoped3A_78 : memref<!tpu.dma_semaphore, #tpu.memory_space<semaphore_mem>>)
        %dma_wait3A_85 = arith.constant 9984 : i32
        %dma_wait3A_86 = arith.constant 0 : i32
        %dma_wait3A_87 = tpu.memref_slice %arg12[%dma_wait3A_85, %dma_wait3A_86] : memref<10000x128xf32, #tpu.memory_space<vmem_shared>> -> memref<16x128xf32, #tpu.memory_space<vmem_shared>>
        %dma_wait3A_88 = arith.constant 0 : i32
        %dma_wait3A_89 = arith.constant 0 : i32
        %dma_wait3A_90 = tpu.memref_slice %arg5[%dma_wait3A_88, %dma_wait3A_89] : memref<633x128xf32, #tpu.memory_space<hbm>> -> memref<16x128xf32, #tpu.memory_space<hbm>>
        tpu.wait_dma2 semaphore(%run_scoped3A_78 : memref<!tpu.dma_semaphore, #tpu.memory_space<semaphore_mem>>) src(%dma_wait3A_90 : memref<16x128xf32, #tpu.memory_space<hbm>>) dst(%dma_wait3A_87 : memref<16x128xf32, #tpu.memory_space<vmem_shared>>)
        tpu.yield
      }) : () -> ()
    } else {
    }
    %barrier3A = arith.constant 0 : index
    tpu.barrier barrier_id(%barrier3A)
    %add3A_7 = arith.constant 0 : i32
    %add3A_8 = arith.addi %mul3A_2, %add3A_7 : i32
    %run_scoped3A = arith.constant 0 : i32
    "tpu.region"() ({
      %run_scoped3A_78 = tpu.sem_alloc : memref<!tpu.dma_semaphore, #tpu.memory_space<semaphore_mem>>
      %dma_start3A_79 = arith.constant 0 : i32
      %dma_start3A_80 = tpu.memref_slice %arg7[%run_scoped3A, %dma_start3A_79] : memref<2x128xi32, #tpu.memory_space<vmem>> -> memref<1x128xi32, #tpu.memory_space<vmem>>
      %dma_start3A_81 = tpu.memref_squeeze %dma_start3A_80 : memref<1x128xi32, #tpu.memory_space<vmem>> -> memref<128xi32, #tpu.memory_space<vmem>>
      %dma_start3A_82 = tpu.memref_slice %arg3[%add3A_8] : memref<320000xi32, #tpu.memory_space<hbm>> -> memref<128xi32, #tpu.memory_space<hbm>>
      %dma_start3A_83 = arith.constant 0 : i32
      %dma_start3A_84 = tpu.memref_slice %arg7[%run_scoped3A, %dma_start3A_83] : memref<2x128xi32, #tpu.memory_space<vmem>> -> memref<1x128xi32, #tpu.memory_space<vmem>>
      %dma_start3A_85 = tpu.memref_squeeze %dma_start3A_84 : memref<1x128xi32, #tpu.memory_space<vmem>> -> memref<128xi32, #tpu.memory_space<vmem>>
      %dma_start3A_86 = tpu.memref_slice %arg3[%add3A_8] : memref<320000xi32, #tpu.memory_space<hbm>> -> memref<128xi32, #tpu.memory_space<hbm>>
      tpu.enqueue_dma source(%dma_start3A_86 : memref<128xi32, #tpu.memory_space<hbm>>) target(%dma_start3A_85 : memref<128xi32, #tpu.memory_space<vmem>>) target_semaphore(%run_scoped3A_78 : memref<!tpu.dma_semaphore, #tpu.memory_space<semaphore_mem>>)
      %dma_wait3A_87 = arith.constant 0 : i32
      %dma_wait3A_88 = tpu.memref_slice %arg7[%run_scoped3A, %dma_wait3A_87] : memref<2x128xi32, #tpu.memory_space<vmem>> -> memref<1x128xi32, #tpu.memory_space<vmem>>
      %dma_wait3A_89 = tpu.memref_squeeze %dma_wait3A_88 : memref<1x128xi32, #tpu.memory_space<vmem>> -> memref<128xi32, #tpu.memory_space<vmem>>
      %dma_wait3A_90 = tpu.memref_slice %arg3[%add3A_8] : memref<320000xi32, #tpu.memory_space<hbm>> -> memref<128xi32, #tpu.memory_space<hbm>>
      %dma_wait3A_91 = arith.constant 0 : i32
      %dma_wait3A_92 = tpu.memref_slice %arg7[%run_scoped3A, %dma_wait3A_91] : memref<2x128xi32, #tpu.memory_space<vmem>> -> memref<1x128xi32, #tpu.memory_space<vmem>>
      %dma_wait3A_93 = tpu.memref_squeeze %dma_wait3A_92 : memref<1x128xi32, #tpu.memory_space<vmem>> -> memref<128xi32, #tpu.memory_space<vmem>>
      %dma_wait3A_94 = tpu.memref_slice %arg3[%add3A_8] : memref<320000xi32, #tpu.memory_space<hbm>> -> memref<128xi32, #tpu.memory_space<hbm>>
      tpu.wait_dma2 semaphore(%run_scoped3A_78 : memref<!tpu.dma_semaphore, #tpu.memory_space<semaphore_mem>>) src(%dma_wait3A_94 : memref<128xi32, #tpu.memory_space<hbm>>) dst(%dma_wait3A_93 : memref<128xi32, #tpu.memory_space<vmem>>)
      tpu.yield
    }) : () -> ()
    %run_scoped3A_9 = arith.constant 0 : i32
    "tpu.region"() ({
      %run_scoped3A_78 = tpu.sem_alloc : memref<!tpu.dma_semaphore, #tpu.memory_space<semaphore_mem>>
      %dma_start3A_79 = arith.constant 0 : i32
      %dma_start3A_80 = tpu.memref_slice %arg8[%run_scoped3A_9, %dma_start3A_79] : memref<2x128xi32, #tpu.memory_space<vmem>> -> memref<1x128xi32, #tpu.memory_space<vmem>>
      %dma_start3A_81 = tpu.memref_squeeze %dma_start3A_80 : memref<1x128xi32, #tpu.memory_space<vmem>> -> memref<128xi32, #tpu.memory_space<vmem>>
      %dma_start3A_82 = tpu.memref_slice %arg4[%add3A_8] : memref<320000xi32, #tpu.memory_space<hbm>> -> memref<128xi32, #tpu.memory_space<hbm>>
      %dma_start3A_83 = arith.constant 0 : i32
      %dma_start3A_84 = tpu.memref_slice %arg8[%run_scoped3A_9, %dma_start3A_83] : memref<2x128xi32, #tpu.memory_space<vmem>> -> memref<1x128xi32, #tpu.memory_space<vmem>>
      %dma_start3A_85 = tpu.memref_squeeze %dma_start3A_84 : memref<1x128xi32, #tpu.memory_space<vmem>> -> memref<128xi32, #tpu.memory_space<vmem>>
      %dma_start3A_86 = tpu.memref_slice %arg4[%add3A_8] : memref<320000xi32, #tpu.memory_space<hbm>> -> memref<128xi32, #tpu.memory_space<hbm>>
      tpu.enqueue_dma source(%dma_start3A_86 : memref<128xi32, #tpu.memory_space<hbm>>) target(%dma_start3A_85 : memref<128xi32, #tpu.memory_space<vmem>>) target_semaphore(%run_scoped3A_78 : memref<!tpu.dma_semaphore, #tpu.memory_space<semaphore_mem>>)
      %dma_wait3A_87 = arith.constant 0 : i32
      %dma_wait3A_88 = tpu.memref_slice %arg8[%run_scoped3A_9, %dma_wait3A_87] : memref<2x128xi32, #tpu.memory_space<vmem>> -> memref<1x128xi32, #tpu.memory_space<vmem>>
      %dma_wait3A_89 = tpu.memref_squeeze %dma_wait3A_88 : memref<1x128xi32, #tpu.memory_space<vmem>> -> memref<128xi32, #tpu.memory_space<vmem>>
      %dma_wait3A_90 = tpu.memref_slice %arg4[%add3A_8] : memref<320000xi32, #tpu.memory_space<hbm>> -> memref<128xi32, #tpu.memory_space<hbm>>
      %dma_wait3A_91 = arith.constant 0 : i32
      %dma_wait3A_92 = tpu.memref_slice %arg8[%run_scoped3A_9, %dma_wait3A_91] : memref<2x128xi32, #tpu.memory_space<vmem>> -> memref<1x128xi32, #tpu.memory_space<vmem>>
      %dma_wait3A_93 = tpu.memref_squeeze %dma_wait3A_92 : memref<1x128xi32, #tpu.memory_space<vmem>> -> memref<128xi32, #tpu.memory_space<vmem>>
      %dma_wait3A_94 = tpu.memref_slice %arg4[%add3A_8] : memref<320000xi32, #tpu.memory_space<hbm>> -> memref<128xi32, #tpu.memory_space<hbm>>
      tpu.wait_dma2 semaphore(%run_scoped3A_78 : memref<!tpu.dma_semaphore, #tpu.memory_space<semaphore_mem>>) src(%dma_wait3A_94 : memref<128xi32, #tpu.memory_space<hbm>>) dst(%dma_wait3A_93 : memref<128xi32, #tpu.memory_space<vmem>>)
      tpu.yield
    }) : () -> ()
    %dma_start3A = arith.constant 0 : i32
    %dma_start3A_10 = arith.constant 0 : i32
    %dma_start3A_11 = arith.constant 0 : i32
    %dma_start3A_12 = arith.constant 0 : i32
    %dma_start3A_13 = arith.constant 0 : i32
    %dma_start3A_14 = tpu.memref_slice %arg9[%dma_start3A_10, %dma_start3A_12, %dma_start3A_13] : memref<2x128x128xf32, #tpu.memory_space<vmem>> -> memref<1x128x128xf32, #tpu.memory_space<vmem>>
    %dma_start3A_15 = tpu.memref_squeeze %dma_start3A_14 : memref<1x128x128xf32, #tpu.memory_space<vmem>> -> memref<128x128xf32, #tpu.memory_space<vmem>>
    %dma_start3A_16 = arith.constant 0 : i32
    %dma_start3A_17 = tpu.memref_slice %arg7[%dma_start3A, %dma_start3A_16] : memref<2x128xi32, #tpu.memory_space<vmem>> -> memref<1x128xi32, #tpu.memory_space<vmem>>
    %dma_start3A_18 = tpu.memref_squeeze %dma_start3A_17 : memref<1x128xi32, #tpu.memory_space<vmem>> -> memref<128xi32, #tpu.memory_space<vmem>>
    %dma_start3A_19 = arith.constant 0 : i32
    %dma_start3A_20 = arith.constant 0 : i32
    %dma_start3A_21 = tpu.memref_slice %arg2[%dma_start3A_19, %dma_start3A_20] : memref<10000x128xf32, #tpu.memory_space<hbm>> -> memref<10000x128xf32, #tpu.memory_space<hbm>>
    %dma_start3A_22 = tpu.memref_slice %arg13[%dma_start3A_11] : memref<2x!tpu.dma_semaphore, #tpu.memory_space<semaphore_mem>> -> memref<1x!tpu.dma_semaphore, #tpu.memory_space<semaphore_mem>>
    %dma_start3A_23 = tpu.memref_squeeze %dma_start3A_22 : memref<1x!tpu.dma_semaphore, #tpu.memory_space<semaphore_mem>> -> memref<!tpu.dma_semaphore, #tpu.memory_space<semaphore_mem>>
    tpu.enqueue_indirect_dma source(%dma_start3A_21 : memref<10000x128xf32, #tpu.memory_space<hbm>>) target(%dma_start3A_15 : memref<128x128xf32, #tpu.memory_space<vmem>>) offsets(%dma_start3A_18 : memref<128xi32, #tpu.memory_space<vmem>>) semaphore(%dma_start3A_23 : memref<!tpu.dma_semaphore, #tpu.memory_space<semaphore_mem>>)
    %add3A_24 = arith.constant 128 : i32
    %add3A_25 = arith.addi %mul3A_2, %add3A_24 : i32
    %run_scoped3A_26 = arith.constant 1 : i32
    "tpu.region"() ({
      %run_scoped3A_78 = tpu.sem_alloc : memref<!tpu.dma_semaphore, #tpu.memory_space<semaphore_mem>>
      %dma_start3A_79 = arith.constant 0 : i32
      %dma_start3A_80 = tpu.memref_slice %arg7[%run_scoped3A_26, %dma_start3A_79] : memref<2x128xi32, #tpu.memory_space<vmem>> -> memref<1x128xi32, #tpu.memory_space<vmem>>
      %dma_start3A_81 = tpu.memref_squeeze %dma_start3A_80 : memref<1x128xi32, #tpu.memory_space<vmem>> -> memref<128xi32, #tpu.memory_space<vmem>>
      %dma_start3A_82 = tpu.memref_slice %arg3[%add3A_25] : memref<320000xi32, #tpu.memory_space<hbm>> -> memref<128xi32, #tpu.memory_space<hbm>>
      %dma_start3A_83 = arith.constant 0 : i32
      %dma_start3A_84 = tpu.memref_slice %arg7[%run_scoped3A_26, %dma_start3A_83] : memref<2x128xi32, #tpu.memory_space<vmem>> -> memref<1x128xi32, #tpu.memory_space<vmem>>
      %dma_start3A_85 = tpu.memref_squeeze %dma_start3A_84 : memref<1x128xi32, #tpu.memory_space<vmem>> -> memref<128xi32, #tpu.memory_space<vmem>>
      %dma_start3A_86 = tpu.memref_slice %arg3[%add3A_25] : memref<320000xi32, #tpu.memory_space<hbm>> -> memref<128xi32, #tpu.memory_space<hbm>>
      tpu.enqueue_dma source(%dma_start3A_86 : memref<128xi32, #tpu.memory_space<hbm>>) target(%dma_start3A_85 : memref<128xi32, #tpu.memory_space<vmem>>) target_semaphore(%run_scoped3A_78 : memref<!tpu.dma_semaphore, #tpu.memory_space<semaphore_mem>>)
      %dma_wait3A_87 = arith.constant 0 : i32
      %dma_wait3A_88 = tpu.memref_slice %arg7[%run_scoped3A_26, %dma_wait3A_87] : memref<2x128xi32, #tpu.memory_space<vmem>> -> memref<1x128xi32, #tpu.memory_space<vmem>>
      %dma_wait3A_89 = tpu.memref_squeeze %dma_wait3A_88 : memref<1x128xi32, #tpu.memory_space<vmem>> -> memref<128xi32, #tpu.memory_space<vmem>>
      %dma_wait3A_90 = tpu.memref_slice %arg3[%add3A_25] : memref<320000xi32, #tpu.memory_space<hbm>> -> memref<128xi32, #tpu.memory_space<hbm>>
      %dma_wait3A_91 = arith.constant 0 : i32
      %dma_wait3A_92 = tpu.memref_slice %arg7[%run_scoped3A_26, %dma_wait3A_91] : memref<2x128xi32, #tpu.memory_space<vmem>> -> memref<1x128xi32, #tpu.memory_space<vmem>>
      %dma_wait3A_93 = tpu.memref_squeeze %dma_wait3A_92 : memref<1x128xi32, #tpu.memory_space<vmem>> -> memref<128xi32, #tpu.memory_space<vmem>>
      %dma_wait3A_94 = tpu.memref_slice %arg3[%add3A_25] : memref<320000xi32, #tpu.memory_space<hbm>> -> memref<128xi32, #tpu.memory_space<hbm>>
      tpu.wait_dma2 semaphore(%run_scoped3A_78 : memref<!tpu.dma_semaphore, #tpu.memory_space<semaphore_mem>>) src(%dma_wait3A_94 : memref<128xi32, #tpu.memory_space<hbm>>) dst(%dma_wait3A_93 : memref<128xi32, #tpu.memory_space<vmem>>)
      tpu.yield
    }) : () -> ()
    %run_scoped3A_27 = arith.constant 1 : i32
    "tpu.region"() ({
      %run_scoped3A_78 = tpu.sem_alloc : memref<!tpu.dma_semaphore, #tpu.memory_space<semaphore_mem>>
      %dma_start3A_79 = arith.constant 0 : i32
      %dma_start3A_80 = tpu.memref_slice %arg8[%run_scoped3A_27, %dma_start3A_79] : memref<2x128xi32, #tpu.memory_space<vmem>> -> memref<1x128xi32, #tpu.memory_space<vmem>>
      %dma_start3A_81 = tpu.memref_squeeze %dma_start3A_80 : memref<1x128xi32, #tpu.memory_space<vmem>> -> memref<128xi32, #tpu.memory_space<vmem>>
      %dma_start3A_82 = tpu.memref_slice %arg4[%add3A_25] : memref<320000xi32, #tpu.memory_space<hbm>> -> memref<128xi32, #tpu.memory_space<hbm>>
      %dma_start3A_83 = arith.constant 0 : i32
      %dma_start3A_84 = tpu.memref_slice %arg8[%run_scoped3A_27, %dma_start3A_83] : memref<2x128xi32, #tpu.memory_space<vmem>> -> memref<1x128xi32, #tpu.memory_space<vmem>>
      %dma_start3A_85 = tpu.memref_squeeze %dma_start3A_84 : memref<1x128xi32, #tpu.memory_space<vmem>> -> memref<128xi32, #tpu.memory_space<vmem>>
      %dma_start3A_86 = tpu.memref_slice %arg4[%add3A_25] : memref<320000xi32, #tpu.memory_space<hbm>> -> memref<128xi32, #tpu.memory_space<hbm>>
      tpu.enqueue_dma source(%dma_start3A_86 : memref<128xi32, #tpu.memory_space<hbm>>) target(%dma_start3A_85 : memref<128xi32, #tpu.memory_space<vmem>>) target_semaphore(%run_scoped3A_78 : memref<!tpu.dma_semaphore, #tpu.memory_space<semaphore_mem>>)
      %dma_wait3A_87 = arith.constant 0 : i32
      %dma_wait3A_88 = tpu.memref_slice %arg8[%run_scoped3A_27, %dma_wait3A_87] : memref<2x128xi32, #tpu.memory_space<vmem>> -> memref<1x128xi32, #tpu.memory_space<vmem>>
      %dma_wait3A_89 = tpu.memref_squeeze %dma_wait3A_88 : memref<1x128xi32, #tpu.memory_space<vmem>> -> memref<128xi32, #tpu.memory_space<vmem>>
      %dma_wait3A_90 = tpu.memref_slice %arg4[%add3A_25] : memref<320000xi32, #tpu.memory_space<hbm>> -> memref<128xi32, #tpu.memory_space<hbm>>
      %dma_wait3A_91 = arith.constant 0 : i32
      %dma_wait3A_92 = tpu.memref_slice %arg8[%run_scoped3A_27, %dma_wait3A_91] : memref<2x128xi32, #tpu.memory_space<vmem>> -> memref<1x128xi32, #tpu.memory_space<vmem>>
      %dma_wait3A_93 = tpu.memref_squeeze %dma_wait3A_92 : memref<1x128xi32, #tpu.memory_space<vmem>> -> memref<128xi32, #tpu.memory_space<vmem>>
      %dma_wait3A_94 = tpu.memref_slice %arg4[%add3A_25] : memref<320000xi32, #tpu.memory_space<hbm>> -> memref<128xi32, #tpu.memory_space<hbm>>
      tpu.wait_dma2 semaphore(%run_scoped3A_78 : memref<!tpu.dma_semaphore, #tpu.memory_space<semaphore_mem>>) src(%dma_wait3A_94 : memref<128xi32, #tpu.memory_space<hbm>>) dst(%dma_wait3A_93 : memref<128xi32, #tpu.memory_space<vmem>>)
      tpu.yield
    }) : () -> ()
    %dma_start3A_28 = arith.constant 1 : i32
    %dma_start3A_29 = arith.constant 1 : i32
    %dma_start3A_30 = arith.constant 1 : i32
    %dma_start3A_31 = arith.constant 0 : i32
    %dma_start3A_32 = arith.constant 0 : i32
    %dma_start3A_33 = tpu.memref_slice %arg9[%dma_start3A_29, %dma_start3A_31, %dma_start3A_32] : memref<2x128x128xf32, #tpu.memory_space<vmem>> -> memref<1x128x128xf32, #tpu.memory_space<vmem>>
    %dma_start3A_34 = tpu.memref_squeeze %dma_start3A_33 : memref<1x128x128xf32, #tpu.memory_space<vmem>> -> memref<128x128xf32, #tpu.memory_space<vmem>>
    %dma_start3A_35 = arith.constant 0 : i32
    %dma_start3A_36 = tpu.memref_slice %arg7[%dma_start3A_28, %dma_start3A_35] : memref<2x128xi32, #tpu.memory_space<vmem>> -> memref<1x128xi32, #tpu.memory_space<vmem>>
    %dma_start3A_37 = tpu.memref_squeeze %dma_start3A_36 : memref<1x128xi32, #tpu.memory_space<vmem>> -> memref<128xi32, #tpu.memory_space<vmem>>
    %dma_start3A_38 = arith.constant 0 : i32
    %dma_start3A_39 = arith.constant 0 : i32
    %dma_start3A_40 = tpu.memref_slice %arg2[%dma_start3A_38, %dma_start3A_39] : memref<10000x128xf32, #tpu.memory_space<hbm>> -> memref<10000x128xf32, #tpu.memory_space<hbm>>
    %dma_start3A_41 = tpu.memref_slice %arg13[%dma_start3A_30] : memref<2x!tpu.dma_semaphore, #tpu.memory_space<semaphore_mem>> -> memref<1x!tpu.dma_semaphore, #tpu.memory_space<semaphore_mem>>
    %dma_start3A_42 = tpu.memref_squeeze %dma_start3A_41 : memref<1x!tpu.dma_semaphore, #tpu.memory_space<semaphore_mem>> -> memref<!tpu.dma_semaphore, #tpu.memory_space<semaphore_mem>>
    tpu.enqueue_indirect_dma source(%dma_start3A_40 : memref<10000x128xf32, #tpu.memory_space<hbm>>) target(%dma_start3A_34 : memref<128x128xf32, #tpu.memory_space<vmem>>) offsets(%dma_start3A_37 : memref<128xi32, #tpu.memory_space<vmem>>) semaphore(%dma_start3A_42 : memref<!tpu.dma_semaphore, #tpu.memory_space<semaphore_mem>>)
    %scan3A = arith.constant 0 : i32
    %scan3A_43 = arith.constant 0 : i32
    %scan3A_44 = arith.constant 78 : i32
    %scan3A_45 = arith.addi %scan3A_43, %scan3A_44 : i32
    %scan3A_46 = arith.constant 1 : i32
    scf.for %scan3A_78 = %scan3A_43 to %scan3A_45 step %scan3A_46  : i32 {
      %rem3A = arith.constant 2 : i32
      %rem3A_79 = arith.remsi %scan3A_78, %rem3A : i32
      %dma_wait3A_80 = arith.constant 0 : i32
      %dma_wait3A_81 = arith.constant 0 : i32
      %dma_wait3A_82 = tpu.memref_slice %arg9[%rem3A_79, %dma_wait3A_80, %dma_wait3A_81] : memref<2x128x128xf32, #tpu.memory_space<vmem>> -> memref<1x128x128xf32, #tpu.memory_space<vmem>>
      %dma_wait3A_83 = tpu.memref_squeeze %dma_wait3A_82 : memref<1x128x128xf32, #tpu.memory_space<vmem>> -> memref<128x128xf32, #tpu.memory_space<vmem>>
      %dma_wait3A_84 = arith.constant 0 : i32
      %dma_wait3A_85 = tpu.memref_slice %arg7[%rem3A_79, %dma_wait3A_84] : memref<2x128xi32, #tpu.memory_space<vmem>> -> memref<1x128xi32, #tpu.memory_space<vmem>>
      %dma_wait3A_86 = tpu.memref_squeeze %dma_wait3A_85 : memref<1x128xi32, #tpu.memory_space<vmem>> -> memref<128xi32, #tpu.memory_space<vmem>>
      %dma_wait3A_87 = arith.constant 0 : i32
      %dma_wait3A_88 = arith.constant 0 : i32
      %dma_wait3A_89 = tpu.memref_slice %arg2[%dma_wait3A_87, %dma_wait3A_88] : memref<10000x128xf32, #tpu.memory_space<hbm>> -> memref<10000x128xf32, #tpu.memory_space<hbm>>
      %dma_wait3A_90 = tpu.memref_slice %arg13[%rem3A_79] : memref<2x!tpu.dma_semaphore, #tpu.memory_space<semaphore_mem>> -> memref<1x!tpu.dma_semaphore, #tpu.memory_space<semaphore_mem>>
      %dma_wait3A_91 = tpu.memref_squeeze %dma_wait3A_90 : memref<1x!tpu.dma_semaphore, #tpu.memory_space<semaphore_mem>> -> memref<!tpu.dma_semaphore, #tpu.memory_space<semaphore_mem>>
      tpu.wait_indirect_dma semaphore(%dma_wait3A_91 : memref<!tpu.dma_semaphore, #tpu.memory_space<semaphore_mem>>) src(%dma_wait3A_89 : memref<10000x128xf32, #tpu.memory_space<hbm>>) dst(%dma_wait3A_83 : memref<128x128xf32, #tpu.memory_space<vmem>>)
      "tpu.region"() ({
        %run_scoped3A_98 = tpu.sem_alloc : memref<!tpu.dma_semaphore, #tpu.memory_space<semaphore_mem>>
        %dma_start3A_99 = arith.constant 0 : i32
        %dma_start3A_100 = arith.constant 0 : i32
        %dma_start3A_101 = tpu.memref_slice %arg9[%rem3A_79, %dma_start3A_99, %dma_start3A_100] : memref<2x128x128xf32, #tpu.memory_space<vmem>> -> memref<1x128x128xf32, #tpu.memory_space<vmem>>
        %dma_start3A_102 = tpu.memref_squeeze %dma_start3A_101 : memref<1x128x128xf32, #tpu.memory_space<vmem>> -> memref<128x128xf32, #tpu.memory_space<vmem>>
        %dma_start3A_103 = arith.constant 0 : i32
        %dma_start3A_104 = tpu.memref_slice %arg8[%rem3A_79, %dma_start3A_103] : memref<2x128xi32, #tpu.memory_space<vmem>> -> memref<1x128xi32, #tpu.memory_space<vmem>>
        %dma_start3A_105 = tpu.memref_squeeze %dma_start3A_104 : memref<1x128xi32, #tpu.memory_space<vmem>> -> memref<128xi32, #tpu.memory_space<vmem>>
        %dma_start3A_106 = arith.constant 0 : i32
        %dma_start3A_107 = arith.constant 0 : i32
        %dma_start3A_108 = tpu.memref_slice %arg12[%dma_start3A_106, %dma_start3A_107] : memref<10000x128xf32, #tpu.memory_space<vmem_shared>> -> memref<10000x128xf32, #tpu.memory_space<vmem_shared>>
        tpu.enqueue_indirect_dma source(%dma_start3A_102 : memref<128x128xf32, #tpu.memory_space<vmem>>) target(%dma_start3A_108 : memref<10000x128xf32, #tpu.memory_space<vmem_shared>>) offsets(%dma_start3A_105 : memref<128xi32, #tpu.memory_space<vmem>>) semaphore(%run_scoped3A_98 : memref<!tpu.dma_semaphore, #tpu.memory_space<semaphore_mem>>) {add = true}
        %dma_wait3A_109 = arith.constant 0 : i32
        %dma_wait3A_110 = arith.constant 0 : i32
        %dma_wait3A_111 = tpu.memref_slice %arg9[%rem3A_79, %dma_wait3A_109, %dma_wait3A_110] : memref<2x128x128xf32, #tpu.memory_space<vmem>> -> memref<1x128x128xf32, #tpu.memory_space<vmem>>
        %dma_wait3A_112 = tpu.memref_squeeze %dma_wait3A_111 : memref<1x128x128xf32, #tpu.memory_space<vmem>> -> memref<128x128xf32, #tpu.memory_space<vmem>>
        %dma_wait3A_113 = arith.constant 0 : i32
        %dma_wait3A_114 = tpu.memref_slice %arg8[%rem3A_79, %dma_wait3A_113] : memref<2x128xi32, #tpu.memory_space<vmem>> -> memref<1x128xi32, #tpu.memory_space<vmem>>
        %dma_wait3A_115 = tpu.memref_squeeze %dma_wait3A_114 : memref<1x128xi32, #tpu.memory_space<vmem>> -> memref<128xi32, #tpu.memory_space<vmem>>
        %dma_wait3A_116 = arith.constant 0 : i32
        %dma_wait3A_117 = arith.constant 0 : i32
        %dma_wait3A_118 = tpu.memref_slice %arg12[%dma_wait3A_116, %dma_wait3A_117] : memref<10000x128xf32, #tpu.memory_space<vmem_shared>> -> memref<10000x128xf32, #tpu.memory_space<vmem_shared>>
        tpu.wait_indirect_dma semaphore(%run_scoped3A_98 : memref<!tpu.dma_semaphore, #tpu.memory_space<semaphore_mem>>) src(%dma_wait3A_112 : memref<128x128xf32, #tpu.memory_space<vmem>>) dst(%dma_wait3A_118 : memref<10000x128xf32, #tpu.memory_space<vmem_shared>>)
        tpu.yield
      }) : () -> ()
      %add3A_92 = arith.constant 2 : i32
      %add3A_93 = arith.addi %scan3A_78, %add3A_92 : i32
      %lt3A = arith.constant 78 : i32
      %lt3A_94 = arith.cmpi slt, %add3A_93, %lt3A : i32
      %convert_element_type3A_95 = arith.extui %lt3A_94 : i1 to i32
      %cond3A_96 = arith.constant 0 : i32
      %cond3A_97 = arith.cmpi ne, %convert_element_type3A_95, %cond3A_96 : i32
      scf.if %cond3A_97 {
        %mul3A_98 = arith.constant 128 : i32
        %mul3A_99 = arith.muli %add3A_93, %mul3A_98 : i32
        %add3A_100 = arith.addi %mul3A_2, %mul3A_99 : i32
        "tpu.region"() ({
          %run_scoped3A_113 = tpu.sem_alloc : memref<!tpu.dma_semaphore, #tpu.memory_space<semaphore_mem>>
          %dma_start3A_114 = arith.constant 0 : i32
          %dma_start3A_115 = tpu.memref_slice %arg7[%rem3A_79, %dma_start3A_114] : memref<2x128xi32, #tpu.memory_space<vmem>> -> memref<1x128xi32, #tpu.memory_space<vmem>>
          %dma_start3A_116 = tpu.memref_squeeze %dma_start3A_115 : memref<1x128xi32, #tpu.memory_space<vmem>> -> memref<128xi32, #tpu.memory_space<vmem>>
          %dma_start3A_117 = tpu.memref_slice %arg3[%add3A_100] : memref<320000xi32, #tpu.memory_space<hbm>> -> memref<128xi32, #tpu.memory_space<hbm>>
          %dma_start3A_118 = arith.constant 0 : i32
          %dma_start3A_119 = tpu.memref_slice %arg7[%rem3A_79, %dma_start3A_118] : memref<2x128xi32, #tpu.memory_space<vmem>> -> memref<1x128xi32, #tpu.memory_space<vmem>>
          %dma_start3A_120 = tpu.memref_squeeze %dma_start3A_119 : memref<1x128xi32, #tpu.memory_space<vmem>> -> memref<128xi32, #tpu.memory_space<vmem>>
          %dma_start3A_121 = tpu.memref_slice %arg3[%add3A_100] : memref<320000xi32, #tpu.memory_space<hbm>> -> memref<128xi32, #tpu.memory_space<hbm>>
          tpu.enqueue_dma source(%dma_start3A_121 : memref<128xi32, #tpu.memory_space<hbm>>) target(%dma_start3A_120 : memref<128xi32, #tpu.memory_space<vmem>>) target_semaphore(%run_scoped3A_113 : memref<!tpu.dma_semaphore, #tpu.memory_space<semaphore_mem>>)
          %dma_wait3A_122 = arith.constant 0 : i32
          %dma_wait3A_123 = tpu.memref_slice %arg7[%rem3A_79, %dma_wait3A_122] : memref<2x128xi32, #tpu.memory_space<vmem>> -> memref<1x128xi32, #tpu.memory_space<vmem>>
          %dma_wait3A_124 = tpu.memref_squeeze %dma_wait3A_123 : memref<1x128xi32, #tpu.memory_space<vmem>> -> memref<128xi32, #tpu.memory_space<vmem>>
          %dma_wait3A_125 = tpu.memref_slice %arg3[%add3A_100] : memref<320000xi32, #tpu.memory_space<hbm>> -> memref<128xi32, #tpu.memory_space<hbm>>
          %dma_wait3A_126 = arith.constant 0 : i32
          %dma_wait3A_127 = tpu.memref_slice %arg7[%rem3A_79, %dma_wait3A_126] : memref<2x128xi32, #tpu.memory_space<vmem>> -> memref<1x128xi32, #tpu.memory_space<vmem>>
          %dma_wait3A_128 = tpu.memref_squeeze %dma_wait3A_127 : memref<1x128xi32, #tpu.memory_space<vmem>> -> memref<128xi32, #tpu.memory_space<vmem>>
          %dma_wait3A_129 = tpu.memref_slice %arg3[%add3A_100] : memref<320000xi32, #tpu.memory_space<hbm>> -> memref<128xi32, #tpu.memory_space<hbm>>
          tpu.wait_dma2 semaphore(%run_scoped3A_113 : memref<!tpu.dma_semaphore, #tpu.memory_space<semaphore_mem>>) src(%dma_wait3A_129 : memref<128xi32, #tpu.memory_space<hbm>>) dst(%dma_wait3A_128 : memref<128xi32, #tpu.memory_space<vmem>>)
          tpu.yield
        }) : () -> ()
        "tpu.region"() ({
          %run_scoped3A_113 = tpu.sem_alloc : memref<!tpu.dma_semaphore, #tpu.memory_space<semaphore_mem>>
          %dma_start3A_114 = arith.constant 0 : i32
          %dma_start3A_115 = tpu.memref_slice %arg8[%rem3A_79, %dma_start3A_114] : memref<2x128xi32, #tpu.memory_space<vmem>> -> memref<1x128xi32, #tpu.memory_space<vmem>>
          %dma_start3A_116 = tpu.memref_squeeze %dma_start3A_115 : memref<1x128xi32, #tpu.memory_space<vmem>> -> memref<128xi32, #tpu.memory_space<vmem>>
          %dma_start3A_117 = tpu.memref_slice %arg4[%add3A_100] : memref<320000xi32, #tpu.memory_space<hbm>> -> memref<128xi32, #tpu.memory_space<hbm>>
          %dma_start3A_118 = arith.constant 0 : i32
          %dma_start3A_119 = tpu.memref_slice %arg8[%rem3A_79, %dma_start3A_118] : memref<2x128xi32, #tpu.memory_space<vmem>> -> memref<1x128xi32, #tpu.memory_space<vmem>>
          %dma_start3A_120 = tpu.memref_squeeze %dma_start3A_119 : memref<1x128xi32, #tpu.memory_space<vmem>> -> memref<128xi32, #tpu.memory_space<vmem>>
          %dma_start3A_121 = tpu.memref_slice %arg4[%add3A_100] : memref<320000xi32, #tpu.memory_space<hbm>> -> memref<128xi32, #tpu.memory_space<hbm>>
          tpu.enqueue_dma source(%dma_start3A_121 : memref<128xi32, #tpu.memory_space<hbm>>) target(%dma_start3A_120 : memref<128xi32, #tpu.memory_space<vmem>>) target_semaphore(%run_scoped3A_113 : memref<!tpu.dma_semaphore, #tpu.memory_space<semaphore_mem>>)
          %dma_wait3A_122 = arith.constant 0 : i32
          %dma_wait3A_123 = tpu.memref_slice %arg8[%rem3A_79, %dma_wait3A_122] : memref<2x128xi32, #tpu.memory_space<vmem>> -> memref<1x128xi32, #tpu.memory_space<vmem>>
          %dma_wait3A_124 = tpu.memref_squeeze %dma_wait3A_123 : memref<1x128xi32, #tpu.memory_space<vmem>> -> memref<128xi32, #tpu.memory_space<vmem>>
          %dma_wait3A_125 = tpu.memref_slice %arg4[%add3A_100] : memref<320000xi32, #tpu.memory_space<hbm>> -> memref<128xi32, #tpu.memory_space<hbm>>
          %dma_wait3A_126 = arith.constant 0 : i32
          %dma_wait3A_127 = tpu.memref_slice %arg8[%rem3A_79, %dma_wait3A_126] : memref<2x128xi32, #tpu.memory_space<vmem>> -> memref<1x128xi32, #tpu.memory_space<vmem>>
          %dma_wait3A_128 = tpu.memref_squeeze %dma_wait3A_127 : memref<1x128xi32, #tpu.memory_space<vmem>> -> memref<128xi32, #tpu.memory_space<vmem>>
          %dma_wait3A_129 = tpu.memref_slice %arg4[%add3A_100] : memref<320000xi32, #tpu.memory_space<hbm>> -> memref<128xi32, #tpu.memory_space<hbm>>
          tpu.wait_dma2 semaphore(%run_scoped3A_113 : memref<!tpu.dma_semaphore, #tpu.memory_space<semaphore_mem>>) src(%dma_wait3A_129 : memref<128xi32, #tpu.memory_space<hbm>>) dst(%dma_wait3A_128 : memref<128xi32, #tpu.memory_space<vmem>>)
          tpu.yield
        }) : () -> ()
        %dma_start3A_101 = arith.constant 0 : i32
        %dma_start3A_102 = arith.constant 0 : i32
        %dma_start3A_103 = tpu.memref_slice %arg9[%rem3A_79, %dma_start3A_101, %dma_start3A_102] : memref<2x128x128xf32, #tpu.memory_space<vmem>> -> memref<1x128x128xf32, #tpu.memory_space<vmem>>
        %dma_start3A_104 = tpu.memref_squeeze %dma_start3A_103 : memref<1x128x128xf32, #tpu.memory_space<vmem>> -> memref<128x128xf32, #tpu.memory_space<vmem>>
        %dma_start3A_105 = arith.constant 0 : i32
        %dma_start3A_106 = tpu.memref_slice %arg7[%rem3A_79, %dma_start3A_105] : memref<2x128xi32, #tpu.memory_space<vmem>> -> memref<1x128xi32, #tpu.memory_space<vmem>>
        %dma_start3A_107 = tpu.memref_squeeze %dma_start3A_106 : memref<1x128xi32, #tpu.memory_space<vmem>> -> memref<128xi32, #tpu.memory_space<vmem>>
        %dma_start3A_108 = arith.constant 0 : i32
        %dma_start3A_109 = arith.constant 0 : i32
        %dma_start3A_110 = tpu.memref_slice %arg2[%dma_start3A_108, %dma_start3A_109] : memref<10000x128xf32, #tpu.memory_space<hbm>> -> memref<10000x128xf32, #tpu.memory_space<hbm>>
        %dma_start3A_111 = tpu.memref_slice %arg13[%rem3A_79] : memref<2x!tpu.dma_semaphore, #tpu.memory_space<semaphore_mem>> -> memref<1x!tpu.dma_semaphore, #tpu.memory_space<semaphore_mem>>
        %dma_start3A_112 = tpu.memref_squeeze %dma_start3A_111 : memref<1x!tpu.dma_semaphore, #tpu.memory_space<semaphore_mem>> -> memref<!tpu.dma_semaphore, #tpu.memory_space<semaphore_mem>>
        tpu.enqueue_indirect_dma source(%dma_start3A_110 : memref<10000x128xf32, #tpu.memory_space<hbm>>) target(%dma_start3A_104 : memref<128x128xf32, #tpu.memory_space<vmem>>) offsets(%dma_start3A_107 : memref<128xi32, #tpu.memory_space<vmem>>) semaphore(%dma_start3A_112 : memref<!tpu.dma_semaphore, #tpu.memory_space<semaphore_mem>>)
      } else {
      }
    }
    %scan3A_47 = arith.constant 78 : i32
    %add3A_48 = arith.constant 9984 : i32
    %add3A_49 = arith.addi %mul3A_2, %add3A_48 : i32
    "tpu.region"() ({
      %run_scoped3A_78 = tpu.sem_alloc : memref<!tpu.dma_semaphore, #tpu.memory_space<semaphore_mem>>
      %dma_start3A_79 = tpu.memref_slice %arg3[%add3A_49] : memref<320000xi32, #tpu.memory_space<hbm>> -> memref<16xi32, #tpu.memory_space<hbm>>
      %dma_start3A_80 = tpu.memref_slice %arg3[%add3A_49] : memref<320000xi32, #tpu.memory_space<hbm>> -> memref<16xi32, #tpu.memory_space<hbm>>
      tpu.enqueue_dma source(%dma_start3A_80 : memref<16xi32, #tpu.memory_space<hbm>>) target(%arg10 : memref<16xi32, #tpu.memory_space<vmem>>) target_semaphore(%run_scoped3A_78 : memref<!tpu.dma_semaphore, #tpu.memory_space<semaphore_mem>>)
      %dma_wait3A_81 = tpu.memref_slice %arg3[%add3A_49] : memref<320000xi32, #tpu.memory_space<hbm>> -> memref<16xi32, #tpu.memory_space<hbm>>
      %dma_wait3A_82 = tpu.memref_slice %arg3[%add3A_49] : memref<320000xi32, #tpu.memory_space<hbm>> -> memref<16xi32, #tpu.memory_space<hbm>>
      tpu.wait_dma2 semaphore(%run_scoped3A_78 : memref<!tpu.dma_semaphore, #tpu.memory_space<semaphore_mem>>) src(%dma_wait3A_82 : memref<16xi32, #tpu.memory_space<hbm>>) dst(%arg10 : memref<16xi32, #tpu.memory_space<vmem>>)
      tpu.yield
    }) : () -> ()
    "tpu.region"() ({
      %run_scoped3A_78 = tpu.sem_alloc : memref<!tpu.dma_semaphore, #tpu.memory_space<semaphore_mem>>
      %dma_start3A_79 = tpu.memref_slice %arg4[%add3A_49] : memref<320000xi32, #tpu.memory_space<hbm>> -> memref<16xi32, #tpu.memory_space<hbm>>
      %dma_start3A_80 = tpu.memref_slice %arg4[%add3A_49] : memref<320000xi32, #tpu.memory_space<hbm>> -> memref<16xi32, #tpu.memory_space<hbm>>
      tpu.enqueue_dma source(%dma_start3A_80 : memref<16xi32, #tpu.memory_space<hbm>>) target(%arg11 : memref<16xi32, #tpu.memory_space<vmem>>) target_semaphore(%run_scoped3A_78 : memref<!tpu.dma_semaphore, #tpu.memory_space<semaphore_mem>>)
      %dma_wait3A_81 = tpu.memref_slice %arg4[%add3A_49] : memref<320000xi32, #tpu.memory_space<hbm>> -> memref<16xi32, #tpu.memory_space<hbm>>
      %dma_wait3A_82 = tpu.memref_slice %arg4[%add3A_49] : memref<320000xi32, #tpu.memory_space<hbm>> -> memref<16xi32, #tpu.memory_space<hbm>>
      tpu.wait_dma2 semaphore(%run_scoped3A_78 : memref<!tpu.dma_semaphore, #tpu.memory_space<semaphore_mem>>) src(%dma_wait3A_82 : memref<16xi32, #tpu.memory_space<hbm>>) dst(%arg11 : memref<16xi32, #tpu.memory_space<vmem>>)
      tpu.yield
    }) : () -> ()
    %dma_start3A_50 = arith.constant 0 : i32
    %dma_start3A_51 = arith.constant 0 : i32
    %dma_start3A_52 = arith.constant 0 : i32
    %dma_start3A_53 = arith.constant 0 : i32
    %dma_start3A_54 = tpu.memref_slice %arg9[%dma_start3A_50, %dma_start3A_52, %dma_start3A_53] : memref<2x128x128xf32, #tpu.memory_space<vmem>> -> memref<1x16x128xf32, #tpu.memory_space<vmem>>
    %dma_start3A_55 = tpu.memref_squeeze %dma_start3A_54 : memref<1x16x128xf32, #tpu.memory_space<vmem>> -> memref<16x128xf32, #tpu.memory_space<vmem>>
    %dma_start3A_56 = arith.constant 0 : i32
    %dma_start3A_57 = arith.constant 0 : i32
    %dma_start3A_58 = tpu.memref_slice %arg2[%dma_start3A_56, %dma_start3A_57] : memref<10000x128xf32, #tpu.memory_space<hbm>> -> memref<10000x128xf32, #tpu.memory_space<hbm>>
    %dma_start3A_59 = tpu.memref_slice %arg13[%dma_start3A_51] : memref<2x!tpu.dma_semaphore, #tpu.memory_space<semaphore_mem>> -> memref<1x!tpu.dma_semaphore, #tpu.memory_space<semaphore_mem>>
    %dma_start3A_60 = tpu.memref_squeeze %dma_start3A_59 : memref<1x!tpu.dma_semaphore, #tpu.memory_space<semaphore_mem>> -> memref<!tpu.dma_semaphore, #tpu.memory_space<semaphore_mem>>
    tpu.enqueue_indirect_dma source(%dma_start3A_58 : memref<10000x128xf32, #tpu.memory_space<hbm>>) target(%dma_start3A_55 : memref<16x128xf32, #tpu.memory_space<vmem>>) offsets(%arg10 : memref<16xi32, #tpu.memory_space<vmem>>) semaphore(%dma_start3A_60 : memref<!tpu.dma_semaphore, #tpu.memory_space<semaphore_mem>>)
    %dma_wait3A = arith.constant 0 : i32
    %dma_wait3A_61 = arith.constant 0 : i32
    %dma_wait3A_62 = arith.constant 0 : i32
    %dma_wait3A_63 = arith.constant 0 : i32
    %dma_wait3A_64 = tpu.memref_slice %arg9[%dma_wait3A, %dma_wait3A_62, %dma_wait3A_63] : memref<2x128x128xf32, #tpu.memory_space<vmem>> -> memref<1x16x128xf32, #tpu.memory_space<vmem>>
    %dma_wait3A_65 = tpu.memref_squeeze %dma_wait3A_64 : memref<1x16x128xf32, #tpu.memory_space<vmem>> -> memref<16x128xf32, #tpu.memory_space<vmem>>
    %dma_wait3A_66 = arith.constant 0 : i32
    %dma_wait3A_67 = arith.constant 0 : i32
    %dma_wait3A_68 = tpu.memref_slice %arg2[%dma_wait3A_66, %dma_wait3A_67] : memref<10000x128xf32, #tpu.memory_space<hbm>> -> memref<10000x128xf32, #tpu.memory_space<hbm>>
    %dma_wait3A_69 = tpu.memref_slice %arg13[%dma_wait3A_61] : memref<2x!tpu.dma_semaphore, #tpu.memory_space<semaphore_mem>> -> memref<1x!tpu.dma_semaphore, #tpu.memory_space<semaphore_mem>>
    %dma_wait3A_70 = tpu.memref_squeeze %dma_wait3A_69 : memref<1x!tpu.dma_semaphore, #tpu.memory_space<semaphore_mem>> -> memref<!tpu.dma_semaphore, #tpu.memory_space<semaphore_mem>>
    tpu.wait_indirect_dma semaphore(%dma_wait3A_70 : memref<!tpu.dma_semaphore, #tpu.memory_space<semaphore_mem>>) src(%dma_wait3A_68 : memref<10000x128xf32, #tpu.memory_space<hbm>>) dst(%dma_wait3A_65 : memref<16x128xf32, #tpu.memory_space<vmem>>)
    %run_scoped3A_71 = arith.constant 0 : i32
    "tpu.region"() ({
      %run_scoped3A_78 = tpu.sem_alloc : memref<!tpu.dma_semaphore, #tpu.memory_space<semaphore_mem>>
      %dma_start3A_79 = arith.constant 0 : i32
      %dma_start3A_80 = arith.constant 0 : i32
      %dma_start3A_81 = tpu.memref_slice %arg9[%run_scoped3A_71, %dma_start3A_79, %dma_start3A_80] : memref<2x128x128xf32, #tpu.memory_space<vmem>> -> memref<1x16x128xf32, #tpu.memory_space<vmem>>
      %dma_start3A_82 = tpu.memref_squeeze %dma_start3A_81 : memref<1x16x128xf32, #tpu.memory_space<vmem>> -> memref<16x128xf32, #tpu.memory_space<vmem>>
      %dma_start3A_83 = arith.constant 0 : i32
      %dma_start3A_84 = arith.constant 0 : i32
      %dma_start3A_85 = tpu.memref_slice %arg12[%dma_start3A_83, %dma_start3A_84] : memref<10000x128xf32, #tpu.memory_space<vmem_shared>> -> memref<10000x128xf32, #tpu.memory_space<vmem_shared>>
      tpu.enqueue_indirect_dma source(%dma_start3A_82 : memref<16x128xf32, #tpu.memory_space<vmem>>) target(%dma_start3A_85 : memref<10000x128xf32, #tpu.memory_space<vmem_shared>>) offsets(%arg11 : memref<16xi32, #tpu.memory_space<vmem>>) semaphore(%run_scoped3A_78 : memref<!tpu.dma_semaphore, #tpu.memory_space<semaphore_mem>>) {add = true}
      %dma_wait3A_86 = arith.constant 0 : i32
      %dma_wait3A_87 = arith.constant 0 : i32
      %dma_wait3A_88 = tpu.memref_slice %arg9[%run_scoped3A_71, %dma_wait3A_86, %dma_wait3A_87] : memref<2x128x128xf32, #tpu.memory_space<vmem>> -> memref<1x16x128xf32, #tpu.memory_space<vmem>>
      %dma_wait3A_89 = tpu.memref_squeeze %dma_wait3A_88 : memref<1x16x128xf32, #tpu.memory_space<vmem>> -> memref<16x128xf32, #tpu.memory_space<vmem>>
      %dma_wait3A_90 = arith.constant 0 : i32
      %dma_wait3A_91 = arith.constant 0 : i32
      %dma_wait3A_92 = tpu.memref_slice %arg12[%dma_wait3A_90, %dma_wait3A_91] : memref<10000x128xf32, #tpu.memory_space<vmem_shared>> -> memref<10000x128xf32, #tpu.memory_space<vmem_shared>>
      tpu.wait_indirect_dma semaphore(%run_scoped3A_78 : memref<!tpu.dma_semaphore, #tpu.memory_space<semaphore_mem>>) src(%dma_wait3A_89 : memref<16x128xf32, #tpu.memory_space<vmem>>) dst(%dma_wait3A_92 : memref<10000x128xf32, #tpu.memory_space<vmem_shared>>)
      tpu.yield
    }) : () -> ()
    %barrier3A_72 = arith.constant 0 : index
    tpu.barrier barrier_id(%barrier3A_72)
    "tpu.region"() ({
      %run_scoped3A_78 = tpu.sem_alloc : memref<!tpu.dma_semaphore, #tpu.memory_space<semaphore_mem>>
      %dma_start3A_79 = arith.constant 0 : i32
      %dma_start3A_80 = tpu.memref_slice %arg6[%arg0, %mul3A_4, %dma_start3A_79] : memref<2x10000x128xf32, #tpu.memory_space<hbm>> -> memref<1x624x128xf32, #tpu.memory_space<hbm>>
      %dma_start3A_81 = tpu.memref_squeeze %dma_start3A_80 : memref<1x624x128xf32, #tpu.memory_space<hbm>> -> memref<624x128xf32, #tpu.memory_space<hbm>>
      %dma_start3A_82 = arith.constant 0 : i32
      %dma_start3A_83 = tpu.memref_slice %arg12[%mul3A_4, %dma_start3A_82] : memref<10000x128xf32, #tpu.memory_space<vmem_shared>> -> memref<624x128xf32, #tpu.memory_space<vmem_shared>>
      tpu.enqueue_dma source(%dma_start3A_83 : memref<624x128xf32, #tpu.memory_space<vmem_shared>>) target(%dma_start3A_81 : memref<624x128xf32, #tpu.memory_space<hbm>>) target_semaphore(%run_scoped3A_78 : memref<!tpu.dma_semaphore, #tpu.memory_space<semaphore_mem>>)
      %dma_wait3A_84 = arith.constant 0 : i32
      %dma_wait3A_85 = tpu.memref_slice %arg6[%arg0, %mul3A_4, %dma_wait3A_84] : memref<2x10000x128xf32, #tpu.memory_space<hbm>> -> memref<1x624x128xf32, #tpu.memory_space<hbm>>
      %dma_wait3A_86 = tpu.memref_squeeze %dma_wait3A_85 : memref<1x624x128xf32, #tpu.memory_space<hbm>> -> memref<624x128xf32, #tpu.memory_space<hbm>>
      %dma_wait3A_87 = arith.constant 0 : i32
      %dma_wait3A_88 = tpu.memref_slice %arg12[%mul3A_4, %dma_wait3A_87] : memref<10000x128xf32, #tpu.memory_space<vmem_shared>> -> memref<624x128xf32, #tpu.memory_space<vmem_shared>>
      tpu.wait_dma2 semaphore(%run_scoped3A_78 : memref<!tpu.dma_semaphore, #tpu.memory_space<semaphore_mem>>) src(%dma_wait3A_88 : memref<624x128xf32, #tpu.memory_space<vmem_shared>>) dst(%dma_wait3A_86 : memref<624x128xf32, #tpu.memory_space<hbm>>)
      tpu.yield
    }) : () -> ()
    %eq3A_73 = arith.constant 0 : i32
    %eq3A_74 = arith.cmpi eq, %arg1, %eq3A_73 : i32
    %convert_element_type3A_75 = arith.extui %eq3A_74 : i1 to i32
    %cond3A_76 = arith.constant 0 : i32
    %cond3A_77 = arith.cmpi ne, %convert_element_type3A_75, %cond3A_76 : i32
    scf.if %cond3A_77 {
      "tpu.region"() ({
        %run_scoped3A_78 = tpu.sem_alloc : memref<!tpu.dma_semaphore, #tpu.memory_space<semaphore_mem>>
        %dma_start3A_79 = arith.constant 9984 : i32
        %dma_start3A_80 = arith.constant 0 : i32
        %dma_start3A_81 = tpu.memref_slice %arg6[%arg0, %dma_start3A_79, %dma_start3A_80] : memref<2x10000x128xf32, #tpu.memory_space<hbm>> -> memref<1x16x128xf32, #tpu.memory_space<hbm>>
        %dma_start3A_82 = tpu.memref_squeeze %dma_start3A_81 : memref<1x16x128xf32, #tpu.memory_space<hbm>> -> memref<16x128xf32, #tpu.memory_space<hbm>>
        %dma_start3A_83 = arith.constant 9984 : i32
        %dma_start3A_84 = arith.constant 0 : i32
        %dma_start3A_85 = tpu.memref_slice %arg12[%dma_start3A_83, %dma_start3A_84] : memref<10000x128xf32, #tpu.memory_space<vmem_shared>> -> memref<16x128xf32, #tpu.memory_space<vmem_shared>>
        tpu.enqueue_dma source(%dma_start3A_85 : memref<16x128xf32, #tpu.memory_space<vmem_shared>>) target(%dma_start3A_82 : memref<16x128xf32, #tpu.memory_space<hbm>>) target_semaphore(%run_scoped3A_78 : memref<!tpu.dma_semaphore, #tpu.memory_space<semaphore_mem>>)
        %dma_wait3A_86 = arith.constant 9984 : i32
        %dma_wait3A_87 = arith.constant 0 : i32
        %dma_wait3A_88 = tpu.memref_slice %arg6[%arg0, %dma_wait3A_86, %dma_wait3A_87] : memref<2x10000x128xf32, #tpu.memory_space<hbm>> -> memref<1x16x128xf32, #tpu.memory_space<hbm>>
        %dma_wait3A_89 = tpu.memref_squeeze %dma_wait3A_88 : memref<1x16x128xf32, #tpu.memory_space<hbm>> -> memref<16x128xf32, #tpu.memory_space<hbm>>
        %dma_wait3A_90 = arith.constant 9984 : i32
        %dma_wait3A_91 = arith.constant 0 : i32
        %dma_wait3A_92 = tpu.memref_slice %arg12[%dma_wait3A_90, %dma_wait3A_91] : memref<10000x128xf32, #tpu.memory_space<vmem_shared>> -> memref<16x128xf32, #tpu.memory_space<vmem_shared>>
        tpu.wait_dma2 semaphore(%run_scoped3A_78 : memref<!tpu.dma_semaphore, #tpu.memory_space<semaphore_mem>>) src(%dma_wait3A_92 : memref<16x128xf32, #tpu.memory_space<vmem_shared>>) dst(%dma_wait3A_89 : memref<16x128xf32, #tpu.memory_space<hbm>>)
        tpu.yield
      }) : () -> ()
    } else {
    }
    return
  }
}

module attributes {stable_mosaic.version = 14 : i64} {
  func.func @_tc1_body(%arg0: i32, %arg1: memref<1024x128xf32, #tpu.memory_space<vmem>>, %arg2: memref<128x128xf32, #tpu.memory_space<vmem>>, %arg3: memref<32x1024xf32, #tpu.memory_space<vmem>>, %arg4: memref<1024x128xf32, #tpu.memory_space<vmem>>) attributes {dimension_semantics = [#tpu.dimension_semantics<arbitrary>], iteration_bounds = array<i64: 10>, scalar_prefetch = 0 : i64, scratch_operands = 0 : i64, tpu.core_type = #tpu.core_type<tc>, window_params = [{transform_indices = @transform_0, window_bounds = array<i64: 1024, 128>}, {pipeline_mode = #tpu.pipeline_mode<synchronous>, transform_indices = @transform_1, window_bounds = array<i64: 128, 128>}, {transform_indices = @transform_2, window_bounds = array<i64: 32, 1024>}, {transform_indices = @transform_3, window_bounds = array<i64: 1024, 128>}]} {
    %get3A = arith.constant 0 : index
    %get3A_0 = arith.constant 0 : index
    %get3A_1 = vector.load %arg3[%get3A, %get3A_0] : memref<32x1024xf32, #tpu.memory_space<vmem>>, vector<32x1024xf32>
    %reduce_sum3A = arith.constant dense<0.000000e+00> : vector<1024xf32>
    %reduce_sum3A_2 = vector.multi_reduction <add>, %get3A_1, %reduce_sum3A [0] : vector<32x1024xf32> to vector<1024xf32>
    %add3A = arith.constant 1.000000e+00 : f32
    %add3A_3 = vector.broadcast %add3A : f32 to vector<1024xf32>
    %add3A_4 = arith.addf %add3A_3, %reduce_sum3A_2 : vector<1024xf32>
    %rsqrt3A = math.rsqrt %add3A_4 : vector<1024xf32>
    %broadcast_in_dim3A = vector.shape_cast %rsqrt3A : vector<1024xf32> to vector<1024x1xf32>
    %get3A_5 = arith.constant 0 : index
    %get3A_6 = arith.constant 0 : index
    %get3A_7 = vector.load %arg1[%get3A_5, %get3A_6] : memref<1024x128xf32, #tpu.memory_space<vmem>>, vector<1024x128xf32>
    %get3A_8 = arith.constant 0 : index
    %get3A_9 = arith.constant 0 : index
    %get3A_10 = vector.load %arg2[%get3A_8, %get3A_9] : memref<128x128xf32, #tpu.memory_space<vmem>>, vector<128x128xf32>
    %dot_general3A = arith.constant dense<0.000000e+00> : vector<1024x128xf32>
    %dot_general3A_11 = tpu.matmul %get3A_7, %get3A_10, %dot_general3A {dimension_numbers = #tpu.dot_dimension_numbers<[1], [0], [0], [1], [0, 0, 1, 1], [], []>, transpose_lhs_hint = false} : vector<1024x128xf32>, vector<128x128xf32>, vector<1024x128xf32> -> vector<1024x128xf32>
    %mul3A = vector.broadcast %broadcast_in_dim3A : vector<1024x1xf32> to vector<1024x128xf32>
    %mul3A_12 = arith.mulf %dot_general3A_11, %mul3A : vector<1024x128xf32>
    %swap3A = arith.constant 0 : index
    %swap3A_13 = arith.constant 0 : index
    %swap3A_14 = vector.load %arg4[%swap3A, %swap3A_13] : memref<1024x128xf32, #tpu.memory_space<vmem>>, vector<1024x128xf32>
    tpu.vector_store %arg4[%swap3A, %swap3A_13], %mul3A_12 {strides = array<i32>} : memref<1024x128xf32, #tpu.memory_space<vmem>>, vector<1024x128xf32>,
    return
  }
  func.func @transform_0(%arg0: i32) -> (i32, i32) {
    %c0_i32 = arith.constant 0 : i32
    %c0_i32_0 = arith.constant 0 : i32
    return %arg0, %c0_i32 : i32, i32
  }
  func.func @transform_1(%arg0: i32) -> (i32, i32) {
    %c0_i32 = arith.constant 0 : i32
    %c0_i32_0 = arith.constant 0 : i32
    %c0_i32_1 = arith.constant 0 : i32
    return %c0_i32, %c0_i32_0 : i32, i32
  }
  func.func @transform_2(%arg0: i32) -> (i32, i32) {
    %c0_i32 = arith.constant 0 : i32
    %c0_i32_0 = arith.constant 0 : i32
    return %c0_i32, %arg0 : i32, i32
  }
  func.func @transform_3(%arg0: i32) -> (i32, i32) {
    %c0_i32 = arith.constant 0 : i32
    %c0_i32_0 = arith.constant 0 : i32
    return %arg0, %c0_i32 : i32, i32
  }
}

module attributes {stable_mosaic.version = 14 : i64} {
  func.func @_tc2_body(%arg0: i32, %arg1: memref<1024x128xf32, #tpu.memory_space<vmem>>, %arg2: memref<1024x128xf32, #tpu.memory_space<vmem>>, %arg3: memref<1024x128xf32, #tpu.memory_space<vmem>>, %arg4: memref<32x1024xf32, #tpu.memory_space<vmem>>, %arg5: memref<128x2xf32, #tpu.memory_space<vmem>>, %arg6: memref<1x128xf32, #tpu.memory_space<vmem>>, %arg7: memref<2x1024xf32, #tpu.memory_space<vmem>>) attributes {dimension_semantics = [#tpu.dimension_semantics<arbitrary>], iteration_bounds = array<i64: 10>, scalar_prefetch = 0 : i64, scratch_operands = 0 : i64, tpu.core_type = #tpu.core_type<tc>, window_params = [{transform_indices = @transform_0, window_bounds = array<i64: 1024, 128>}, {transform_indices = @transform_1, window_bounds = array<i64: 1024, 128>}, {transform_indices = @transform_2, window_bounds = array<i64: 1024, 128>}, {transform_indices = @transform_3, window_bounds = array<i64: 32, 1024>}, {pipeline_mode = #tpu.pipeline_mode<synchronous>, transform_indices = @transform_4, window_bounds = array<i64: 128, 2>}, {pipeline_mode = #tpu.pipeline_mode<synchronous>, transform_indices = @transform_5, window_bounds = array<i64: 1, 128>}, {transform_indices = @transform_6, window_bounds = array<i64: 2, 1024>}]} {
    %get3A = arith.constant 0 : index
    %get3A_0 = arith.constant 0 : index
    %get3A_1 = vector.load %arg4[%get3A, %get3A_0] : memref<32x1024xf32, #tpu.memory_space<vmem>>, vector<32x1024xf32>
    %reduce_sum3A = arith.constant dense<0.000000e+00> : vector<1024xf32>
    %reduce_sum3A_2 = vector.multi_reduction <add>, %get3A_1, %reduce_sum3A [0] : vector<32x1024xf32> to vector<1024xf32>
    %add3A = arith.constant 1.000000e+00 : f32
    %add3A_3 = vector.broadcast %add3A : f32 to vector<1024xf32>
    %add3A_4 = arith.addf %add3A_3, %reduce_sum3A_2 : vector<1024xf32>
    %rsqrt3A = math.rsqrt %add3A_4 : vector<1024xf32>
    %broadcast_in_dim3A = vector.shape_cast %rsqrt3A : vector<1024xf32> to vector<1024x1xf32>
    %get3A_5 = arith.constant 0 : index
    %get3A_6 = arith.constant 0 : index
    %get3A_7 = vector.load %arg1[%get3A_5, %get3A_6] : memref<1024x128xf32, #tpu.memory_space<vmem>>, vector<1024x128xf32>
    %get3A_8 = arith.constant 0 : index
    %get3A_9 = arith.constant 0 : index
    %get3A_10 = vector.load %arg2[%get3A_8, %get3A_9] : memref<1024x128xf32, #tpu.memory_space<vmem>>, vector<1024x128xf32>
    %add3A_11 = arith.addf %get3A_7, %get3A_10 : vector<1024x128xf32>
    %get3A_12 = arith.constant 0 : index
    %get3A_13 = arith.constant 0 : index
    %get3A_14 = vector.load %arg3[%get3A_12, %get3A_13] : memref<1024x128xf32, #tpu.memory_space<vmem>>, vector<1024x128xf32>
    %add3A_15 = arith.addf %add3A_11, %get3A_14 : vector<1024x128xf32>
    %mul3A = vector.broadcast %broadcast_in_dim3A : vector<1024x1xf32> to vector<1024x128xf32>
    %mul3A_16 = arith.mulf %mul3A, %add3A_15 : vector<1024x128xf32>
    %get3A_17 = arith.constant 0 : index
    %get3A_18 = arith.constant 0 : index
    %get3A_19 = vector.load %arg6[%get3A_17, %get3A_18] : memref<1x128xf32, #tpu.memory_space<vmem>>, vector<1x128xf32>
    %add3A_20 = vector.broadcast %get3A_19 : vector<1x128xf32> to vector<1024x128xf32>
    %add3A_21 = arith.addf %mul3A_16, %add3A_20 : vector<1024x128xf32>
    %max3A = arith.constant 0.000000e+00 : f32
    %max3A_22 = vector.broadcast %max3A : f32 to vector<1024x128xf32>
    %max3A_23 = arith.maximumf %add3A_21, %max3A_22 : vector<1024x128xf32>
    %get3A_24 = arith.constant 0 : index
    %get3A_25 = arith.constant 0 : index
    %get3A_26 = vector.load %arg5[%get3A_24, %get3A_25] : memref<128x2xf32, #tpu.memory_space<vmem>>, vector<128x2xf32>
    %dot_general3A = arith.constant dense<0.000000e+00> : vector<2x1024xf32>
    %dot_general3A_27 = tpu.matmul %get3A_26, %max3A_23, %dot_general3A {dimension_numbers = #tpu.dot_dimension_numbers<[0], [1], [1], [0], [0, 1, 1, 0], [], []>, transpose_lhs_hint = false} : vector<128x2xf32>, vector<1024x128xf32>, vector<2x1024xf32> -> vector<2x1024xf32>
    %reshape3A = vector.shape_cast %broadcast_in_dim3A : vector<1024x1xf32> to vector<1x1024xf32>
    %mul3A_28 = vector.broadcast %reshape3A : vector<1x1024xf32> to vector<2x1024xf32>
    %mul3A_29 = arith.mulf %dot_general3A_27, %mul3A_28 : vector<2x1024xf32>
    %swap3A = arith.constant 0 : index
    %swap3A_30 = arith.constant 0 : index
    %swap3A_31 = vector.load %arg7[%swap3A, %swap3A_30] : memref<2x1024xf32, #tpu.memory_space<vmem>>, vector<2x1024xf32>
    tpu.vector_store %arg7[%swap3A, %swap3A_30], %mul3A_29 {strides = array<i32>} : memref<2x1024xf32, #tpu.memory_space<vmem>>, vector<2x1024xf32>,
    return
  }
  func.func @transform_0(%arg0: i32) -> (i32, i32) {
    %c0_i32 = arith.constant 0 : i32
    %c0_i32_0 = arith.constant 0 : i32
    return %arg0, %c0_i32 : i32, i32
  }
  func.func @transform_1(%arg0: i32) -> (i32, i32) {
    %c0_i32 = arith.constant 0 : i32
    %c0_i32_0 = arith.constant 0 : i32
    return %arg0, %c0_i32 : i32, i32
  }
  func.func @transform_2(%arg0: i32) -> (i32, i32) {
    %c0_i32 = arith.constant 0 : i32
    %c0_i32_0 = arith.constant 0 : i32
    return %arg0, %c0_i32 : i32, i32
  }
  func.func @transform_3(%arg0: i32) -> (i32, i32) {
    %c0_i32 = arith.constant 0 : i32
    %c0_i32_0 = arith.constant 0 : i32
    return %c0_i32, %arg0 : i32, i32
  }
  func.func @transform_4(%arg0: i32) -> (i32, i32) {
    %c0_i32 = arith.constant 0 : i32
    %c0_i32_0 = arith.constant 0 : i32
    %c0_i32_1 = arith.constant 0 : i32
    return %c0_i32, %c0_i32_0 : i32, i32
  }
  func.func @transform_5(%arg0: i32) -> (i32, i32) {
    %c0_i32 = arith.constant 0 : i32
    %c0_i32_0 = arith.constant 0 : i32
    %c0_i32_1 = arith.constant 0 : i32
    return %c0_i32, %c0_i32_0 : i32, i32
  }
  func.func @transform_6(%arg0: i32) -> (i32, i32) {
    %c0_i32 = arith.constant 0 : i32
    %c0_i32_0 = arith.constant 0 : i32
    return %c0_i32, %arg0 : i32, i32
  }
}

module attributes {stable_mosaic.version = 14 : i64} {
  func.func @_tc3_body(%arg0: i32, %arg1: memref<64x1024xf32, #tpu.memory_space<vmem>>, %arg2: memref<2x1024xf32, #tpu.memory_space<vmem>>, %arg3: memref<32x1024xf32, #tpu.memory_space<vmem>>, %arg4: memref<2x1xf32, #tpu.memory_space<vmem>>, %arg5: memref<1024x2xf32, #tpu.memory_space<vmem>>) attributes {dimension_semantics = [#tpu.dimension_semantics<arbitrary>], iteration_bounds = array<i64: 10>, scalar_prefetch = 0 : i64, scratch_operands = 0 : i64, tpu.core_type = #tpu.core_type<tc>, window_params = [{transform_indices = @transform_0, window_bounds = array<i64: 64, 1024>}, {transform_indices = @transform_1, window_bounds = array<i64: 2, 1024>}, {transform_indices = @transform_2, window_bounds = array<i64: 32, 1024>}, {pipeline_mode = #tpu.pipeline_mode<synchronous>, transform_indices = @transform_3, window_bounds = array<i64: 2, 1>}, {transform_indices = @transform_4, window_bounds = array<i64: 1024, 2>}]} {
    %get3A = arith.constant 0 : index
    %get3A_0 = arith.constant 0 : index
    %get3A_1 = vector.load %arg3[%get3A, %get3A_0] : memref<32x1024xf32, #tpu.memory_space<vmem>>, vector<32x1024xf32>
    %reduce_sum3A = arith.constant dense<0.000000e+00> : vector<1024xf32>
    %reduce_sum3A_2 = vector.multi_reduction <add>, %get3A_1, %reduce_sum3A [0] : vector<32x1024xf32> to vector<1024xf32>
    %add3A = arith.constant 1.000000e+00 : f32
    %add3A_3 = vector.broadcast %add3A : f32 to vector<1024xf32>
    %add3A_4 = arith.addf %add3A_3, %reduce_sum3A_2 : vector<1024xf32>
    %rsqrt3A = math.rsqrt %add3A_4 : vector<1024xf32>
    %broadcast_in_dim3A = vector.shape_cast %rsqrt3A : vector<1024xf32> to vector<1024x1xf32>
    %get3A_5 = arith.constant 0 : index
    %get3A_6 = arith.constant 0 : index
    %get3A_7 = vector.load %arg1[%get3A_5, %get3A_6] : memref<64x1024xf32, #tpu.memory_space<vmem>>, vector<64x1024xf32>
    %reshape3A = vector.shape_cast %get3A_7 : vector<64x1024xf32> to vector<32x2x1024xf32>
    %reduce_sum3A_8 = arith.constant dense<0.000000e+00> : vector<2x1024xf32>
    %reduce_sum3A_9 = vector.multi_reduction <add>, %reshape3A, %reduce_sum3A_8 [0] : vector<32x2x1024xf32> to vector<2x1024xf32>
    %reshape3A_10 = vector.shape_cast %broadcast_in_dim3A : vector<1024x1xf32> to vector<1x1024xf32>
    %get3A_11 = arith.constant 0 : index
    %get3A_12 = arith.constant 0 : index
    %get3A_13 = vector.load %arg2[%get3A_11, %get3A_12] : memref<2x1024xf32, #tpu.memory_space<vmem>>, vector<2x1024xf32>
    %add3A_14 = arith.addf %reduce_sum3A_9, %get3A_13 : vector<2x1024xf32>
    %mul3A = vector.broadcast %reshape3A_10 : vector<1x1024xf32> to vector<2x1024xf32>
    %mul3A_15 = arith.mulf %mul3A, %add3A_14 : vector<2x1024xf32>
    %get3A_16 = arith.constant 0 : index
    %get3A_17 = arith.constant 0 : index
    %get3A_18 = vector.load %arg4[%get3A_16, %get3A_17] : memref<2x1xf32, #tpu.memory_space<vmem>>, vector<2x1xf32>
    %add3A_19 = vector.broadcast %get3A_18 : vector<2x1xf32> to vector<2x1024xf32>
    %add3A_20 = arith.addf %mul3A_15, %add3A_19 : vector<2x1024xf32>
    %transpose3A = tpu.transpose %add3A_20, [1, 0] : vector<2x1024xf32> -> vector<1024x2xf32>
    %swap3A = arith.constant 0 : index
    %swap3A_21 = arith.constant 0 : index
    %swap3A_22 = vector.load %arg5[%swap3A, %swap3A_21] : memref<1024x2xf32, #tpu.memory_space<vmem>>, vector<1024x2xf32>
    tpu.vector_store %arg5[%swap3A, %swap3A_21], %transpose3A {strides = array<i32>} : memref<1024x2xf32, #tpu.memory_space<vmem>>, vector<1024x2xf32>,
    return
  }
  func.func @transform_0(%arg0: i32) -> (i32, i32) {
    %c0_i32 = arith.constant 0 : i32
    %c0_i32_0 = arith.constant 0 : i32
    return %c0_i32, %arg0 : i32, i32
  }
  func.func @transform_1(%arg0: i32) -> (i32, i32) {
    %c0_i32 = arith.constant 0 : i32
    %c0_i32_0 = arith.constant 0 : i32
    return %c0_i32, %arg0 : i32, i32
  }
  func.func @transform_2(%arg0: i32) -> (i32, i32) {
    %c0_i32 = arith.constant 0 : i32
    %c0_i32_0 = arith.constant 0 : i32
    return %c0_i32, %arg0 : i32, i32
  }
  func.func @transform_3(%arg0: i32) -> (i32, i32) {
    %c0_i32 = arith.constant 0 : i32
    %c0_i32_0 = arith.constant 0 : i32
    %c0_i32_1 = arith.constant 0 : i32
    return %c0_i32, %c0_i32_0 : i32, i32
  }
  func.func @transform_4(%arg0: i32) -> (i32, i32) {
    %c0_i32 = arith.constant 0 : i32
    %c0_i32_0 = arith.constant 0 : i32
    return %arg0, %c0_i32 : i32, i32
  }
}

</mosaic_0001>

<sc_bundles>
// kernel: kernel.11.cloned.1.call-start
scs
__scs_entry_jumppad:
0x0: {  	(pc) =	sbr.rel $0x88, $3  }
0x1: {  	(tag) =	ssettag $0x0;
	lr =	simm.s32 $0x1  }
0x2: {  	[smem:$0x3F9B] =	sst lr;
	_ =	strace $0xD0000000  }
0x3: {  	_ = 	snop  }
0x4: {  	_ = 	snop  }
0x5: {  	_ = 	snop  }
0x6: {  	_ = 	snop  }
0x7: {  	_ = 	snop  }
__scs_overlays_trampoline_lowered:
0x8: {  	[smem:$0x3FAA] =	sst s0  }
0x9: {  	[smem:$0x3FAB] =	sst s1  }
0xa: {  	[smem:$0x3FAC] =	sst s2  }
0xb: {  	[smem:$0x3FAD] =	sst s3  }
0xc: {  	[smem:$0x3FAE] =	sst s4  }
0xd: {  	[smem:$0x3FAF] =	sst s5  }
0xe: {  	[smem:$0x3FB0] =	sst s6  }
0xf: {  	[smem:$0x3FB1] =	sst s7  }
0x10: {  	[smem:$0x3FB2] =	sst s8  }
0x11: {  	[smem:$0x3FB3] =	sst s9;
	s0 =	simm.s32 @!p0 $0x0  }
0x12: {  	s1 =	sld [smem:$0x3F99];
	s0 =	simm.s32 @p0 $0x1  }
0x13: {  	[smem:$0x3FB4] =	sst s0;
	s0 =	simm.s32 @!p1 $0x0  }
0x14: {  	s2 =	sld [smem:$0x3F98];
	s0 =	simm.s32 @p1 $0x1  }
0x15: {  	[smem:$0x3FB5] =	sst s0;
	s0 =	simm.s32 @!p2 $0x0  }
0x16: {  	s3 =	sld [smem:$0x3FDB];
	s0 =	simm.s32 @p2 $0x1  }
0x17: {  	s4 =	simm.s32 $0x1BF5;
	[smem:$0x3FB7] =	sst s0  }
0x18: {  	s0 =	sld [smem:$0x3F9A];
	_ =	swait.ge [sflag:s4], $0x0  }
0x19: {  	s7 =	sld [smem:$0x3F9B]  }
0x1a: {  	s8 =	sadd.s32 $0xFFFFE003, lr  }
0x1b: {  	s9 =	sadd.s32 $0xFFFFFEF7, lr;
	s5 =	simm.s32 $0xFFFFFFFF;
	p2 =	slt.u32 s8, $0xFFFFF086  }
0x1c: {  	p1 =	slt.u32 s9, $0xF7A;
	s5 =	simm.s32 @!p2 $0x0  }
0x1d: {  	s5 =	simm.s32 @p1 $0x1;
	p0 =	seq.s32 s7, s2  }
0x1e: {  	s7 =	smul.u32 @!p0 $0xF7A, s2;
	p2 =	seq.s32 @!p0 s5, $0x0  }
0x1f: {  	s9 =	smul.u32 $0xF7A, s1;
	s8 =	simm.s32 @!p0 $0x1BF5;
	p2 =	por !p2, p0  }
0x20: {  	[sflag:s8] =	ssyncset.s32 @!p0 $0xFFFFF086;
	s6 =	sadd.s32 @!p0 s3, s7;
	s7 =	simm.s32 @!p0 $0x108  }
0x21: {  	s3 =	sadd.s32 s3, s9;
	s6 =	sadd.s32 @!p0 $0x88, s6;
	s7 =	simm.s32 @p2 $0x1082  }
0x22: {  	[simem:s7], [sflag:s8] =	dma.local @!p0 [hbm:s6], $0xF7A  }
0x23: {  	s9 =	sor.u32 $0xD0000000, s2;
	s6 =	simm.s32 $0x108;
	_ =	swait.ge @!p0 [sflag:s8], $0x0  }
0x24: {  	s3 =	sadd.s32 $0x88, s3;
	s6 =	simm.s32 @!p1 $0x1082;
	[sflag:s4] =	ssyncset.s32 $0xFFFFF086  }
0x25: {  	[simem:s6], [sflag:s4] =	dma.local [hbm:s3], $0xF7A  }
0x26: {  	[smem:$0x3F9B] =	sst s1;
	(tag) =	ssettag s2;
	_ =	strace s9  }
0x27: {  	s1 =	sld [smem:$0x3FAB]  }
0x28: {  	s2 =	sld [smem:$0x3FAC]  }
0x29: {  	s4 =	sld [smem:$0x3FAE]  }
0x2a: {  	p0 =	seq.s32 s5, $0x0;
	s5 =	sld [smem:$0x3FAF]  }
0x2b: {  	s6 =	sld [smem:$0x3FB0]  }
0x2c: {  	s7 =	sld [smem:$0x3FB1]  }
0x2d: {  	s3 =	simm.s32 $0x108;
	s8 =	sld [smem:$0x3FB2]  }
0x2e: {  	s3 =	simm.s32 @!p0 $0x1082;
	s9 =	sld [smem:$0x3FB3]  }
0x2f: {  	lr =	sadd.s32 s0, s3;
	s0 =	sld [smem:$0x3FAA]  }
0x30: {  	s3 =	sld [smem:$0x3FAD]  }
0x31: {  	[smem:$0x3FB6] =	sst s10  }
0x32: {  	s10 =	sld [smem:$0x3FB4];
	_ =	sdelay $0x3  }
0x33: {  	p0 =	seq.s32 s10, $0x1;
	s10 =	sld [smem:$0x3FB6];
	_ =	sdelay $0x3  }
0x34: {  	[smem:$0x3FB6] =	sst s10  }
0x35: {  	s10 =	sld [smem:$0x3FB5];
	_ =	sdelay $0x3  }
0x36: {  	p1 =	seq.s32 s10, $0x1;
	s10 =	sld [smem:$0x3FB6];
	_ =	sdelay $0x3  }
0x37: {  	[smem:$0x3FB6] =	sst s10  }
0x38: {  	s10 =	sld [smem:$0x3FB7]  }
0x39: {  	_ = 	snop;
	(pc) =	sbr.ind lr, $3  }
0x3a: {  	_ = 	snop  }
0x3b: {  	_ = 	snop  }
0x3c: {  	p2 =	seq.s32 s10, $0x1;
	s10 =	sld [smem:$0x3FB6]  }
0x3d: {  	_ =	shalt  }
0x3e: {  	_ =	shalt  }
0x3f: {  	_ =	shalt  }
0x40: {  	_ =	shalt  }
0x41: {  	_ =	shalt  }
0x42: {  	_ =	shalt  }
0x43: {  	_ =	shalt  }
0x44: {  	_ =	shalt  }
0x45: {  	_ =	shalt  }
0x46: {  	_ =	shalt  }
0x47: {  	_ =	shalt  }
0x48: {  	_ =	shalt  }
0x49: {  	_ =	shalt  }
0x4a: {  	_ =	shalt  }
0x4b: {  	_ =	shalt  }
0x4c: {  	_ =	shalt  }
0x4d: {  	_ =	shalt  }
0x4e: {  	_ =	shalt  }
0x4f: {  	_ =	shalt  }
0x50: {  	_ =	shalt  }
0x51: {  	_ =	shalt  }
0x52: {  	_ =	shalt  }
0x53: {  	_ =	shalt  }
0x54: {  	_ =	shalt  }
0x55: {  	_ =	shalt  }
0x56: {  	_ =	shalt  }
0x57: {  	_ =	shalt  }
0x58: {  	_ =	shalt  }
0x59: {  	_ =	shalt  }
0x5a: {  	_ =	shalt  }
0x5b: {  	_ =	shalt  }
0x5c: {  	_ =	shalt  }
0x5d: {  	_ =	shalt  }
0x5e: {  	_ =	shalt  }
0x5f: {  	_ =	shalt  }
0x60: {  	_ =	shalt  }
0x61: {  	_ =	shalt  }
0x62: {  	_ =	shalt  }
0x63: {  	_ =	shalt  }
0x64: {  	_ =	shalt  }
0x65: {  	_ =	shalt  }
0x66: {  	_ =	shalt  }
0x67: {  	_ =	shalt  }
0x68: {  	_ =	shalt  }
0x69: {  	_ =	shalt  }
0x6a: {  	_ =	shalt  }
0x6b: {  	_ =	shalt  }
0x6c: {  	_ =	shalt  }
0x6d: {  	_ =	shalt  }
0x6e: {  	_ =	shalt  }
0x6f: {  	_ =	shalt  }
0x70: {  	_ =	shalt  }
0x71: {  	_ =	shalt  }
0x72: {  	_ =	shalt  }
0x73: {  	_ =	shalt  }
0x74: {  	_ =	shalt  }
0x75: {  	_ =	shalt  }
0x76: {  	_ =	shalt  }
0x77: {  	_ =	shalt  }
0x78: {  	_ =	shalt  }
0x79: {  	_ =	shalt  }
0x7a: {  	_ =	shalt  }
0x7b: {  	_ =	shalt  }
0x7c: {  	_ =	shalt  }
0x7d: {  	_ =	shalt  }
0x7e: {  	_ =	shalt  }
0x7f: {  	_ =	shalt  }
0x80: {  	_ =	shalt  }
0x81: {  	_ =	shalt  }
0x82: {  	_ =	shalt  }
0x83: {  	_ =	shalt  }
0x84: {  	_ =	shalt  }
0x85: {  	_ =	shalt  }
0x86: {  	_ =	shalt  }
0x87: {  	_ =	shalt  }
.Lfunc_end0:
.L_simem_size_0:
called_computation.1_lowered:
.L_overlay_start_0:
0x88: {  	s2 =	sld [smem:$0x3FD9]  }
0x89: {  	s3 =	sld [smem:$0x3FFE];
	_ =	sdelay $0x1  }
0x8a: {  	s1 =	srdreg.scid  }
0x8b: {  	s0 =	sand.u32 $0x1, s1  }
0x8c: {  	s16 =	sshll.u32 s0, $0xA;
	s2 =	sadd.s32 s3, s2  }
0x8d: {  	s2 =	sadd.s32 s2, s16  }
0x8e: {  	[smem:$0x3FC2] =	sst s2  }
0x8f: {  	_ = 	snop  }
0x90: {  	(tm) =	ssettm $0x1  }
0x91: {  	s17 =	sld [smem:$0x3FFB];
	_ =	sdelay $0x3  }
0x92: {  	_ =	strace s17  }
0x93: {  	s2 =	sld [smem:$0x3FFC];
	_ =	sdelay $0x3  }
0x94: {  	_ =	strace s2  }
0x95: {  	s2 =	sld [smem:$0x3FFD];
	_ =	sdelay $0x3  }
0x96: {  	_ =	strace s2  }
0x97: {  	_ =	strace $0x8FFFFFFF  }
0x98: {  	s18 =	sld [smem:$0x3FDB];
	_ =	sdelay $0x1  }
0x99: {  	s19 =	simm.s32 $_scs_section_size  }
0x9a: {  	s4 =	simm.s32 $_size__tile_overlayer_lowered;
	s5 =	simm.s32 $_tile_overlayer_lowered  }
0x9b: {  	s22 =	simm.s32 $0x1BFF;
	s21 =	sshll.u32 s5, $0x1;
	s2 =	sadd.s32 s19, s18  }
0x9c: {  	s6 =	simm.s32 $0x0;
	s20 =	sshll.u32 s4, $0x1;
	s4 =	sadd.s32 s21, s2  }
0x9d: {  	[timem:s6], [sflag:s22] =	dma.local [hbm:s4], s20  }
0x9e: {  	_ =	swait.ge [sflag:s22], s20  }
0x9f: {  	s3 =	ssub.s32 $0x0, s20;
	[sflag:s22] =	ssyncset.done $0x0  }
0xa0: {  	[sflag:s22] =	ssyncadd.s32 s3;
	_ =	sdelay $0x1  }
0xa1: {  	s23 =	simm.s32 $0x1B8B  }
0xa2: {  	_ =	swait.ge [sflag:s23], $0x1  }
0xa3: {  	[sflag:s23] =	ssyncset.done $0x0  }
0xa4: {  	s25 =	simm.s32 $0x1B8E;
	s24 =	sld [smem:$0x3FFE];
	[sflag:s23] =	ssyncadd.s32 $0xFFFFFFFF  }
0xa5: {  	s26 =	simm.s32 $execute0_lowered;
	[smem:$0x3FD2] =	sst s25  }
0xa6: {  	s4 =	sshll.u32 s26, $0x1;
	_ =	strace $0x80000049;
	[dreg:$0x1] =	wrdreg $0xFFFFFFFF  }
0xa7: {  	s28 =	simm.s32 $_size_execute0_lowered;
	s2 =	sadd.s32 s2, s4;
	[dreg:$0x0] =	wrdreg $0x0  }
0xa8: {  	s4 =	sshll.u32 s28, $0x1;
	[dreg:$0x2] =	wrdreg s2  }
0xa9: {  	[dreg:$0x3] =	wrdreg s4  }
0xaa: {  	[dreg:$0x4] =	wrdreg $0xC0  }
0xab: {  	_ =	task [dreg:s6], $0x5FFFF  }
0xac: {  	[dreg:$0x1] =	wrdreg $0xFFFFFFFF  }
0xad: {  	[dreg:$0x0] =	wrdreg $0x60  }
0xae: {  	[dreg:$0x2] =	wrdreg s24  }
0xaf: {  	[dreg:$0x3] =	wrdreg $0x83000  }
0xb0: {  	[dreg:$0x4] =	wrdreg $0x9  }
0xb1: {  	_ =	task.clear_ibuf [dreg:s6], $0x5FFFF;
	_ =	strace $0x90000049  }
0xb2: {  	s29 =	simm.s32 $0x9;
	_ =	strace $0x8000004B  }
0xb3: {  	_ =	swait.ge [sflag:s29], $0x1  }
0xb4: {  	[sflag:s29] =	ssyncadd.s32 $0xFFFFFFFF  }
0xb5: {  	_ =	strace $0x9000004B  }
0xb6: {  	_ =	sfence  }
0xb7: {  	s30 =	sld [smem:$0x0];
	_ =	sdelay $0x2  }
0xb8: {  	s31 =	sshll.u32 s1, $0xD;
	s1 =	sshrl.u32 s1, $0x2  }
0xb9: {  	s3 =	sand.u32 $0x4000, s31;
	s1 =	sadd.s32 s1, s30  }
0xba: {  	s0 =	sor.u32 s3, s0;
	s1 =	sshll.u32 s1, $0x11  }
0xbb: {  	s0 =	sor.u32 s1, s0  }
0xbc: {  	s0 =	sadd.s32 $0x8F2B, s0  }
0xbd: {  	[sflag:s0] =	ssyncadd.remote.s32 $0x1  }
0xbe: {  	_ =	sfence.sel $0xFFFF  }
0xbf: {  	[dreg:$0x0] =	wrdreg $0xFFFFFFFF;
	(pc) =	sbr.abs _section_cstart, $3  }
0xc0: {  	[dreg:$0x1] =	wrdreg $0xFFFFFFFF  }
0xc1: {  	_ =	task.clear_ibuf [dreg:s6], $0x2FFFF;
	_ =	strace $0x9FFFFFFF  }
0xc2: {  	(tm) =	ssettm $0x7FFFFFFF  }
0xc3: {  	_ =	shalt  }
tec
execute0_lowered:
.L_overlay_start_1:
0x0: {  	(tag) =	ssettag $0x1  }
0x1: {  	s0 =	rddreg [dreg:$0x0]  }
0x2: {  	s1 =	rddreg [dreg:$0x1];
	s2 =	simm.s32 $0x0;
	s4 =	srdreg.scid  }
0x3: {  	s8 =	stileid.u32;
	s28 =	simm.s32 $0x10;
	s29 =	simm.s32 $0x1  }
0x4: {  	s30 =	simm.s32 $0x0;
	[smem:$0x7FF] =	sst s2;
	s3 =	sadd.s32 $0x16000, s0  }
0x5: {  	s5 =	sadd.s32 $0x2400, s0;
	s7 =	sadd.s32 $0xC200, s0;
	s9 =	sand.u32 $0x1, s4  }
0x6: {  	s4 =	sadd.s32 $0x3D200, s0;
	s10 =	smul.u32 $0x4E000, s8;
	s0 =	sadd.s32 $0x3FA00, s0  }
0x7: {  	s17 =	sshll.u32 s8, $0x6;
	s20 =	sadd.s32 $0x138000, s1;
	s14 =	smul.u32 $0x13800, s8  }
0x8: {  	s24 =	smul.u32 $0x2710, s8;
	p0 =	sne.s32 s8, $0x0;
	_ =	strace $0x8000004A  }
0x9: {  	s6 =	sshll.u32 s9, $0x4;
	s11 =	ssub.s32 $0x2, s9;
	s19 =	smul.u32 $0x138800, s9  }
0xa: {  	[dreg:$0x4] =	wrdreg s20;
	s9 =	smul.u32 $0x27100, s9;
	s6 =	sor.u32 s8, s6  }
0xb: {  	s12 =	sshrl.u32 s11, $0x1;
	s15 =	sshrl.u32 s10, $0x2;
	s13 =	smul.u32 $0x2710, s6  }
0xc: {  	s16 =	ssub.s32 s11, s12;
	s6 =	sadd.s32 s15, s1;
	s26 =	sadd.s32 s14, s19  }
0xd: {  	s12 =	sshrl.u32 s19, $0x3;
	s9 =	sadd.s32 s24, s9;
	s19 =	simm.s32 $0x3  }
0xe: {  	[dreg:$0x3] =	wrdreg s6;
	s6 =	sor.u32 $0x1C03, s17;
	s12 =	sadd.s32 s0, s12  }
0xf: {  	s9 =	sadd.s32 $0x100, s9;
	s16 =	smax.u32 s16, $0x1;
	s18 =	sshrl.u32 s13, $0x3  }
0x10: {  	s31 =	sshrl.u32 s9, $0x3;
	s21 =	sadd.s32 s5, s18;
	s22 =	sadd.s32 s7, s18  }
0x11: {  	s23 =	sadd.s32 $0x10, s18;
	s11 =	sadd.s32 $0x4E0, s18;
	[dreg:$0x5] =	wrdreg s21  }
0x12: {  	s17 =	sadd.s32 s31, s7;
	[dreg:$0x6] =	wrdreg s22;
	s15 =	sadd.s32 s5, s23  }
0x13: {  	s18 =	sadd.s32 s31, s5;
	s13 =	sadd.s32 s7, s23;
	[dreg:$0x7] =	wrdreg s15  }
0x14: {  	s25 =	sadd.s32 s5, s11;
	s11 =	sadd.s32 s7, s11;
	[dreg:$0x8] =	wrdreg s13  }
0x15: {  	s21 =	simm.s32 $0x80;
	s22 =	simm.s32 $0x200;
	[dreg:$0x9] =	wrdreg s25  }
0x16: {  	[dreg:$0xa] =	wrdreg s11;
	s11 =	sshrl.u32 s26, $0x3;
	s15 =	sadd.s32 $0x27000, s12  }
0x17: {  	s25 =	simm.s32 $0x8200;
	s26 =	simm.s32 $0x8280;
	s14 =	sadd.s32 s0, s11  }
.LBB2_1:
0x18: {  	s0 =	rddreg [dreg:$0x3]  }
0x19: {  	s31 =	sshrl.u32 s0, $0x3  }
0x1a: {  	[spmem:s31], [sflag:s6] =	dma.local [hbm:s4], $0x2700  }
0x1b: {  	_ =	swait.ge [sflag:s19], $0x2700  }
0x1c: {  	[sflag:s19] =	ssyncset.done $0x0;
	s0 =	rddreg [dreg:$0x4]  }
0x1d: {  	s5 =	simm.s32 @!p0 $0x3;
	[sflag:s19] =	ssyncadd.s32 $0xFFFFD900;
	s0 =	sshrl.u32 @!p0 s0, $0x3  }
0x1e: {  	[spmem:s0], [sflag:s6] =	dma.local @!p0 [hbm:s4], $0x100  }
0x1f: {  	_ =	swait.ge @!p0 [sflag:s5], $0x100  }
0x20: {  	[sflag:s5] =	ssyncset.done @!p0 $0x0  }
0x21: {  	[sflag:s5] =	ssyncadd.s32 @!p0 $0xFFFFFF00  }
0x22: {  	[bflag:$0x0] =	sbarrier.arrive $0xFFFF  }
0x23: {  	s10 =	rddreg [dreg:$0x5]  }
0x24: {  	[tilespmem:s2], [sflag:$0x3] =	stream.linear.gather [hbm4b:s10+s2], $0x80, $0x38;
	[tilespmem:$0x1BB80] =	vst v63  }
0x25: {  	_ =	swait.ge [sflag:s19], $0x80  }
0x26: {  	[sflag:s19] =	ssyncset.done $0x0  }
0x27: {  	s7 =	simm.s32 $0x100;
	s11 =	rddreg [dreg:$0x6];
	[sflag:s19] =	ssyncadd.s32 $0xFFFFFF80  }
0x28: {  	[tilespmem:s7], [sflag:$0x3] =	stream.linear.gather [hbm4b:s11+s2], $0x80, $0x38;
	[tilespmem:$0x1BB80] =	vst v63  }
0x29: {  	_ =	swait.ge [sflag:s19], $0x80  }
0x2a: {  	[sflag:s19] =	ssyncset.done $0x0  }
0x2b: {  	[sflag:s19] =	ssyncadd.s32 $0xFFFFFF80  }
0x2c: {  	[tilespmem:s22], [sflag:$0x1] =	stream.indirect.gather [hbm4b:s3+s21], $0x80, s2, s21, $0xb8;
	[tilespmem:$0x1BB80] =	vst v63  }
0x2d: {  	s12 =	rddreg [dreg:$0x7]  }
0x2e: {  	[tilespmem:s21], [sflag:$0x3] =	stream.linear.gather [hbm4b:s12+s2], $0x80, $0x38;
	[tilespmem:$0x1BB80] =	vst v63  }
0x2f: {  	_ =	swait.ge [sflag:s19], $0x80  }
0x30: {  	[sflag:s19] =	ssyncset.done $0x0  }
0x31: {  	s20 =	simm.s32 $0x180;
	s13 =	rddreg [dreg:$0x8];
	[sflag:s19] =	ssyncadd.s32 $0xFFFFFF80  }
0x32: {  	[tilespmem:s20], [sflag:$0x3] =	stream.linear.gather [hbm4b:s13+s2], $0x80, $0x38;
	[tilespmem:$0x1BB80] =	vst v63  }
0x33: {  	_ =	swait.ge [sflag:s19], $0x80  }
0x34: {  	[sflag:s19] =	ssyncset.done $0x0  }
0x35: {  	s23 =	simm.s32 $0x4200;
	s24 =	sand.u32 $0x1, s2;
	[sflag:s19] =	ssyncadd.s32 $0xFFFFFF80  }
0x36: {  	[tilespmem:s23], [sflag:$0x2] =	stream.indirect.gather [hbm4b:s3+s21], $0x80, s21, s21, $0xb8;
	[tilespmem:$0x1BB80] =	vst v63  }
0x37: {  	s23 =	sadd.s32 $0x1, s24  }
0x38: {  	_ =	swait.ge [sflag:s23], $0x4000  }
0x39: {  	s8 =	sshll.u32 s24, $0xE;
	s7 =	sshll.u32 s24, $0x7;
	[sflag:s23] =	ssyncset.done $0x0  }
0x3a: {  	s8 =	sor.u32 $0x200, s8;
	s5 =	sor.u32 $0x100, s7;
	[sflag:s23] =	ssyncadd.s32 $0xFFFFC000  }
0x3b: {  	[spmem:s1] =	stream.indirect.scatter.add.f32 [tilespmem:s8], [sflag:$0x3], $0x80, s5, s21, $0xb8;
	[tilespmem:$0x1BB80] =	vst v63  }
0x3c: {  	_ =	swait.ge [sflag:s19], $0x4000  }
0x3d: {  	p1 =	por $0x0, $0x0;
	[sflag:s19] =	ssyncset.done $0x0  }
0x3e: {  	s10 =	simm.s32 @!p1 $0x3;
	s11 =	simm.s32 @!p1 $0x0;
	[sflag:s19] =	ssyncadd.s32 $0xFFFFC000  }
0x3f: {  	[tilespmem:s7], [sflag:$0x3] =	stream.linear.gather @!p1 [hbm4b:s18+s11], $0x80, $0x38;
	[tilespmem:$0x1BB80] =	vst v63  }
0x40: {  	_ =	swait.ge @!p1 [sflag:s10], $0x80  }
0x41: {  	[sflag:s10] =	ssyncset.done @!p1 $0x0  }
0x42: {  	s9 =	simm.s32 $0x2;
	s12 =	simm.s32 @!p1 $0x80;
	[sflag:s10] =	ssyncadd.s32 @!p1 $0xFFFFFF80  }
0x43: {  	[tilespmem:s5], [sflag:$0x3] =	stream.linear.gather @!p1 [hbm4b:s17+s11], $0x80, $0x38;
	[tilespmem:$0x1BB80] =	vst v63  }
0x44: {  	s20 =	sadd.s32 $0x10, s17;
	s24 =	simm.s32 $0x1;
	_ =	swait.ge @!p1 [sflag:s10], $0x80  }
0x45: {  	s5 =	sadd.s32 $0x10, s18;
	s11 =	sand.u32 $0x1, s24;
	[sflag:s10] =	ssyncset.done @!p1 $0x0  }
.LBB2_2:
0x46: {  	s13 =	sadd.s32 $0x1, s11  }
0x47: {  	[sflag:s10] =	ssyncadd.s32 @!p1 $0xFFFFFF80;
	s10 =	smov.u32 s9;
	s9 =	sadd.s32 $0x1, s9  }
0x48: {  	[tilespmem:s8], [sflag:s23] =	stream.indirect.gather @!p1 [hbm4b:s3+s12], $0x80, s7, s12, $0xb8;
	[tilespmem:$0x1BB80] =	vst v63  }
0x49: {  	p2 =	sne.s32 s9, $0x4E;
	s23 =	smov.u32 s13;
	_ =	swait.ge [sflag:s13], $0x4000  }
0x4a: {  	s8 =	sshll.u32 s11, $0xE;
	s7 =	sshll.u32 s11, $0x7;
	[sflag:s23] =	ssyncset.done $0x0  }
0x4b: {  	s8 =	sor.u32 $0x200, s8;
	s11 =	sor.u32 $0x100, s7;
	[sflag:s23] =	ssyncadd.s32 $0xFFFFC000  }
0x4c: {  	[spmem:s1] =	stream.indirect.scatter.add.f32 [tilespmem:s8], [sflag:$0x3], $0x80, s11, s21, $0xb8;
	[tilespmem:$0x1BB80] =	vst v63  }
0x4d: {  	_ =	swait.ge [sflag:s19], $0x4000  }
0x4e: {  	p1 =	sgt.u32 s24, $0x4B;
	s24 =	smov.u32 s10;
	[sflag:s19] =	ssyncset.done $0x0  }
0x4f: {  	s12 =	simm.s32 @!p1 $0x0;
	s10 =	simm.s32 @!p1 $0x3;
	[sflag:s19] =	ssyncadd.s32 $0xFFFFC000  }
0x50: {  	[tilespmem:s7], [sflag:$0x3] =	stream.linear.gather @!p1 [hbm4b:s5+s12], $0x80, $0x38;
	[tilespmem:$0x1BB80] =	vst v63  }
0x51: {  	_ =	swait.ge @!p1 [sflag:s10], $0x80  }
.Ltmp0:
0x52: {  	[sflag:s10] =	ssyncset.done @!p1 $0x0;
	(pc) =	sbr.rel @p2 .LBB2_2-.Ltmp0, $4  }
0x53: {  	[sflag:s10] =	ssyncadd.s32 @!p1 $0xFFFFFF80  }
0x54: {  	[tilespmem:s11], [sflag:$0x3] =	stream.linear.gather @!p1 [hbm4b:s20+s12], $0x80, $0x38;
	[tilespmem:$0x1BB80] =	vst v63  }
0x55: {  	s5 =	sadd.s32 $0x10, s5;
	s20 =	sadd.s32 $0x10, s20;
	_ =	swait.ge @!p1 [sflag:s10], $0x80  }
0x56: {  	s11 =	sand.u32 $0x1, s24;
	s12 =	simm.s32 @!p1 $0x80;
	[sflag:s10] =	ssyncset.done @!p1 $0x0  }
0x57: {  	[sflag:s10] =	ssyncadd.s32 @!p1 $0xFFFFFF80  }
0x58: {  	[tilespmem:s8], [sflag:s23] =	stream.indirect.gather @!p1 [hbm4b:s3+s12], $0x80, s7, s12, $0xb8;
	[tilespmem:$0x1BB80] =	vst v63  }
0x59: {  	s7 =	sadd.s32 $0x1, s11  }
0x5a: {  	_ =	swait.ge [sflag:s7], $0x4000  }
0x5b: {  	s13 =	sshll.u32 s11, $0xE;
	s9 =	sshll.u32 s11, $0x7;
	[sflag:s7] =	ssyncset.done $0x0  }
0x5c: {  	s8 =	sor.u32 $0x200, s13;
	s10 =	sor.u32 $0x100, s9;
	[sflag:s7] =	ssyncadd.s32 $0xFFFFC000  }
0x5d: {  	[spmem:s1] =	stream.indirect.scatter.add.f32 [tilespmem:s8], [sflag:$0x3], $0x80, s10, s21, $0xb8;
	[tilespmem:$0x1BB80] =	vst v63  }
0x5e: {  	_ =	swait.ge [sflag:s19], $0x4000  }
0x5f: {  	p1 =	sgt.u32 s24, $0x4B;
	[sflag:s19] =	ssyncset.done $0x0  }
0x60: {  	s11 =	simm.s32 @!p1 $0x0;
	[sflag:s19] =	ssyncadd.s32 $0xFFFFC000  }
0x61: {  	[tilespmem:s9], [sflag:$0x3] =	stream.linear.gather @!p1 [hbm4b:s5+s11], $0x80, $0x38;
	[tilespmem:$0x1BB80] =	vst v63  }
0x62: {  	s5 =	simm.s32 @!p1 $0x3  }
0x63: {  	_ =	swait.ge @!p1 [sflag:s5], $0x80  }
0x64: {  	[sflag:s5] =	ssyncset.done @!p1 $0x0  }
0x65: {  	[sflag:s5] =	ssyncadd.s32 @!p1 $0xFFFFFF80  }
0x66: {  	[tilespmem:s10], [sflag:$0x3] =	stream.linear.gather @!p1 [hbm4b:s20+s11], $0x80, $0x38;
	[tilespmem:$0x1BB80] =	vst v63  }
0x67: {  	_ =	swait.ge @!p1 [sflag:s5], $0x80  }
0x68: {  	[sflag:s5] =	ssyncset.done @!p1 $0x0  }
0x69: {  	[sflag:s5] =	ssyncadd.s32 @!p1 $0xFFFFFF80;
	s5 =	simm.s32 @!p1 $0x80  }
0x6a: {  	[tilespmem:s8], [sflag:s7] =	stream.indirect.gather @!p1 [hbm4b:s3+s5], $0x80, s9, s5, $0xb8;
	[tilespmem:$0x1BB80] =	vst v63  }
0x6b: {  	s23 =	rddreg [dreg:$0x9]  }
0x6c: {  	[tilespmem:s25], [sflag:$0x3] =	stream.linear.gather [hbm4b:s23+s2], $0x10, $0x38;
	[tilespmem:$0x1BB80] =	vst v63  }
0x6d: {  	_ =	swait.ge [sflag:s19], $0x10  }
0x6e: {  	[sflag:s19] =	ssyncset.done $0x0  }
0x6f: {  	s24 =	rddreg [dreg:$0xa];
	[sflag:s19] =	ssyncadd.s32 $0xFFFFFFF0  }
0x70: {  	[tilespmem:s26], [sflag:$0x3] =	stream.linear.gather [hbm4b:s24+s2], $0x10, $0x38;
	[tilespmem:$0x1BB80] =	vst v63  }
0x71: {  	_ =	swait.ge [sflag:s19], $0x10  }
0x72: {  	[sflag:s19] =	ssyncset.done $0x0  }
0x73: {  	[sflag:s19] =	ssyncadd.s32 $0xFFFFFFF0  }
0x74: {  	[tilespmem:s22], [sflag:$0x1] =	stream.indirect.gather [hbm4b:s3+s28], $0x80, s25, s28, $0xb8;
	[tilespmem:$0x1BB80] =	vst v63  }
0x75: {  	_ =	swait.ge [sflag:s29], $0x800  }
0x76: {  	[sflag:s29] =	ssyncset.done $0x0  }
0x77: {  	[sflag:s29] =	ssyncadd.s32 $0xFFFFF800  }
0x78: {  	[spmem:s1] =	stream.indirect.scatter.add.f32 [tilespmem:s22], [sflag:$0x3], $0x80, s26, s28, $0xb8;
	[tilespmem:$0x1BB80] =	vst v63  }
0x79: {  	_ =	swait.ge [sflag:s19], $0x800  }
0x7a: {  	[sflag:s19] =	ssyncset.done $0x0  }
0x7b: {  	[sflag:s19] =	ssyncadd.s32 $0xFFFFF800  }
0x7c: {  	[bflag:$0x0] =	sbarrier.arrive $0xFFFF  }
0x7d: {  	[hbm:s14], [sflag:s6] =	dma.local [spmem:s31], $0x2700  }
0x7e: {  	_ =	swait.ge [sflag:s19], $0x2700  }
0x7f: {  	s30 =	sadd.s32 $0x1, s30;
	[sflag:s19] =	ssyncset.done $0x0  }
0x80: {  	p1 =	sne.s32 s30, s16;
	[sflag:s19] =	ssyncadd.s32 $0xFFFFD900  }
0x81: {  	[hbm:s15], [sflag:s6] =	dma.local @!p0 [spmem:s0], $0x100  }
.Ltmp1:
0x82: {  	_ = 	snop;
	(pc) =	sbr.rel @p1 .LBB2_1-.Ltmp1, $4  }
0x83: {  	s0 =	simm.s32 @!p0 $0x3  }
0x84: {  	_ =	swait.ge @!p0 [sflag:s0], $0x100  }
0x85: {  	[sflag:s0] =	ssyncset.done @!p0 $0x0  }
0x86: {  	[sflag:s0] =	ssyncadd.s32 @!p0 $0xFFFFFF00  }
0x87: {  	_ =	sfence.sel $0x180000  }
0x88: {  	[bflag:$0x0] =	sbarrier.arrive $0xFFFF  }
0x89: {  	_ =	strace $0x9000004A  }
0x8a: {  	[bflag:$0x2] =	sbarrier.arrive $0xFFFF  }
0x8b: {  	s0 =	rddreg [dreg:$0x2]  }
0x8c: {  	s0 =	sadd.s32 @!p0 $0x100000, s0  }
0x8d: {  	[sflag:s0] =	ssyncadd.tile.s32 @!p0 $0x1;
	_ =	shalt  }
.Lfunc_end2:
_tile_overlayer_lowered:
.L_overlay_start_2:
0x8e: {  	(tag) =	ssettag $0x2  }
0x8f: {  	s0 =	rddreg [dreg:$0x0];
	s2 =	stileid.u32  }
0x90: {  	s1 =	rddreg [dreg:$0x1];
	p0 =	sne.s32 s2, $0x0  }
0x91: {  	s3 =	rddreg [dreg:$0x2];
	[bflag:$0x3] =	sbarrier.arrive $0xFFFF;
	s2 =	simm.s32 @!p0 $0x1C03  }
0x92: {  	[timem:s3], [sflag:s2] =	dma.local @!p0 [hbm:s0], s1  }
0x93: {  	s0 =	simm.s32 @!p0 $0x3  }
0x94: {  	_ =	swait.ge @!p0 [sflag:s0], s1  }
0x95: {  	s1 =	ssub.s32 @!p0 $0x0, s1;
	[sflag:s0] =	ssyncset.done @!p0 $0x0  }
0x96: {  	[sflag:s0] =	ssyncadd.s32 @!p0 s1  }
0x97: {  	[bflag:$0x3] =	sbarrier.arrive $0xFFFF  }
0x98: {  	_ =	shalt  }

// kernel: kernel.14.cloned.1.call-start
scs
__scs_entry_jumppad:
0x0: {  	(pc) =	sbr.rel $0x88, $3  }
0x1: {  	(tag) =	ssettag $0x0;
	lr =	simm.s32 $0x1  }
0x2: {  	[smem:$0x3F9B] =	sst lr;
	_ =	strace $0xD0000000  }
0x3: {  	_ = 	snop  }
0x4: {  	_ = 	snop  }
0x5: {  	_ = 	snop  }
0x6: {  	_ = 	snop  }
0x7: {  	_ = 	snop  }
__scs_overlays_trampoline_lowered:
0x8: {  	[smem:$0x3FAA] =	sst s0  }
0x9: {  	[smem:$0x3FAB] =	sst s1  }
0xa: {  	[smem:$0x3FAC] =	sst s2  }
0xb: {  	[smem:$0x3FAD] =	sst s3  }
0xc: {  	[smem:$0x3FAE] =	sst s4  }
0xd: {  	[smem:$0x3FAF] =	sst s5  }
0xe: {  	[smem:$0x3FB0] =	sst s6  }
0xf: {  	[smem:$0x3FB1] =	sst s7  }
0x10: {  	[smem:$0x3FB2] =	sst s8  }
0x11: {  	[smem:$0x3FB3] =	sst s9;
	s0 =	simm.s32 @!p0 $0x0  }
0x12: {  	s1 =	sld [smem:$0x3F99];
	s0 =	simm.s32 @p0 $0x1  }
0x13: {  	[smem:$0x3FB4] =	sst s0;
	s0 =	simm.s32 @!p1 $0x0  }
0x14: {  	s2 =	sld [smem:$0x3F98];
	s0 =	simm.s32 @p1 $0x1  }
0x15: {  	[smem:$0x3FB5] =	sst s0;
	s0 =	simm.s32 @!p2 $0x0  }
0x16: {  	s3 =	sld [smem:$0x3FDB];
	s0 =	simm.s32 @p2 $0x1  }
0x17: {  	s4 =	simm.s32 $0x1BF5;
	[smem:$0x3FB7] =	sst s0  }
0x18: {  	s0 =	sld [smem:$0x3F9A];
	_ =	swait.ge [sflag:s4], $0x0  }
0x19: {  	s7 =	sld [smem:$0x3F9B]  }
0x1a: {  	s8 =	sadd.s32 $0xFFFFE003, lr  }
0x1b: {  	s9 =	sadd.s32 $0xFFFFFEF7, lr;
	s5 =	simm.s32 $0xFFFFFFFF;
	p2 =	slt.u32 s8, $0xFFFFF086  }
0x1c: {  	p1 =	slt.u32 s9, $0xF7A;
	s5 =	simm.s32 @!p2 $0x0  }
0x1d: {  	s5 =	simm.s32 @p1 $0x1;
	p0 =	seq.s32 s7, s2  }
0x1e: {  	s7 =	smul.u32 @!p0 $0xF7A, s2;
	p2 =	seq.s32 @!p0 s5, $0x0  }
0x1f: {  	s9 =	smul.u32 $0xF7A, s1;
	s8 =	simm.s32 @!p0 $0x1BF5;
	p2 =	por !p2, p0  }
0x20: {  	[sflag:s8] =	ssyncset.s32 @!p0 $0xFFFFF086;
	s6 =	sadd.s32 @!p0 s3, s7;
	s7 =	simm.s32 @!p0 $0x108  }
0x21: {  	s3 =	sadd.s32 s3, s9;
	s6 =	sadd.s32 @!p0 $0x88, s6;
	s7 =	simm.s32 @p2 $0x1082  }
0x22: {  	[simem:s7], [sflag:s8] =	dma.local @!p0 [hbm:s6], $0xF7A  }
0x23: {  	s9 =	sor.u32 $0xD0000000, s2;
	s6 =	simm.s32 $0x108;
	_ =	swait.ge @!p0 [sflag:s8], $0x0  }
0x24: {  	s3 =	sadd.s32 $0x88, s3;
	s6 =	simm.s32 @!p1 $0x1082;
	[sflag:s4] =	ssyncset.s32 $0xFFFFF086  }
0x25: {  	[simem:s6], [sflag:s4] =	dma.local [hbm:s3], $0xF7A  }
0x26: {  	[smem:$0x3F9B] =	sst s1;
	(tag) =	ssettag s2;
	_ =	strace s9  }
0x27: {  	s1 =	sld [smem:$0x3FAB]  }
0x28: {  	s2 =	sld [smem:$0x3FAC]  }
0x29: {  	s4 =	sld [smem:$0x3FAE]  }
0x2a: {  	p0 =	seq.s32 s5, $0x0;
	s5 =	sld [smem:$0x3FAF]  }
0x2b: {  	s6 =	sld [smem:$0x3FB0]  }
0x2c: {  	s7 =	sld [smem:$0x3FB1]  }
0x2d: {  	s3 =	simm.s32 $0x108;
	s8 =	sld [smem:$0x3FB2]  }
0x2e: {  	s3 =	simm.s32 @!p0 $0x1082;
	s9 =	sld [smem:$0x3FB3]  }
0x2f: {  	lr =	sadd.s32 s0, s3;
	s0 =	sld [smem:$0x3FAA]  }
0x30: {  	s3 =	sld [smem:$0x3FAD]  }
0x31: {  	[smem:$0x3FB6] =	sst s10  }
0x32: {  	s10 =	sld [smem:$0x3FB4];
	_ =	sdelay $0x3  }
0x33: {  	p0 =	seq.s32 s10, $0x1;
	s10 =	sld [smem:$0x3FB6];
	_ =	sdelay $0x3  }
0x34: {  	[smem:$0x3FB6] =	sst s10  }
0x35: {  	s10 =	sld [smem:$0x3FB5];
	_ =	sdelay $0x3  }
0x36: {  	p1 =	seq.s32 s10, $0x1;
	s10 =	sld [smem:$0x3FB6];
	_ =	sdelay $0x3  }
0x37: {  	[smem:$0x3FB6] =	sst s10  }
0x38: {  	s10 =	sld [smem:$0x3FB7]  }
0x39: {  	_ = 	snop;
	(pc) =	sbr.ind lr, $3  }
0x3a: {  	_ = 	snop  }
0x3b: {  	_ = 	snop  }
0x3c: {  	p2 =	seq.s32 s10, $0x1;
	s10 =	sld [smem:$0x3FB6]  }
0x3d: {  	_ =	shalt  }
0x3e: {  	_ =	shalt  }
0x3f: {  	_ =	shalt  }
0x40: {  	_ =	shalt  }
0x41: {  	_ =	shalt  }
0x42: {  	_ =	shalt  }
0x43: {  	_ =	shalt  }
0x44: {  	_ =	shalt  }
0x45: {  	_ =	shalt  }
0x46: {  	_ =	shalt  }
0x47: {  	_ =	shalt  }
0x48: {  	_ =	shalt  }
0x49: {  	_ =	shalt  }
0x4a: {  	_ =	shalt  }
0x4b: {  	_ =	shalt  }
0x4c: {  	_ =	shalt  }
0x4d: {  	_ =	shalt  }
0x4e: {  	_ =	shalt  }
0x4f: {  	_ =	shalt  }
0x50: {  	_ =	shalt  }
0x51: {  	_ =	shalt  }
0x52: {  	_ =	shalt  }
0x53: {  	_ =	shalt  }
0x54: {  	_ =	shalt  }
0x55: {  	_ =	shalt  }
0x56: {  	_ =	shalt  }
0x57: {  	_ =	shalt  }
0x58: {  	_ =	shalt  }
0x59: {  	_ =	shalt  }
0x5a: {  	_ =	shalt  }
0x5b: {  	_ =	shalt  }
0x5c: {  	_ =	shalt  }
0x5d: {  	_ =	shalt  }
0x5e: {  	_ =	shalt  }
0x5f: {  	_ =	shalt  }
0x60: {  	_ =	shalt  }
0x61: {  	_ =	shalt  }
0x62: {  	_ =	shalt  }
0x63: {  	_ =	shalt  }
0x64: {  	_ =	shalt  }
0x65: {  	_ =	shalt  }
0x66: {  	_ =	shalt  }
0x67: {  	_ =	shalt  }
0x68: {  	_ =	shalt  }
0x69: {  	_ =	shalt  }
0x6a: {  	_ =	shalt  }
0x6b: {  	_ =	shalt  }
0x6c: {  	_ =	shalt  }
0x6d: {  	_ =	shalt  }
0x6e: {  	_ =	shalt  }
0x6f: {  	_ =	shalt  }
0x70: {  	_ =	shalt  }
0x71: {  	_ =	shalt  }
0x72: {  	_ =	shalt  }
0x73: {  	_ =	shalt  }
0x74: {  	_ =	shalt  }
0x75: {  	_ =	shalt  }
0x76: {  	_ =	shalt  }
0x77: {  	_ =	shalt  }
0x78: {  	_ =	shalt  }
0x79: {  	_ =	shalt  }
0x7a: {  	_ =	shalt  }
0x7b: {  	_ =	shalt  }
0x7c: {  	_ =	shalt  }
0x7d: {  	_ =	shalt  }
0x7e: {  	_ =	shalt  }
0x7f: {  	_ =	shalt  }
0x80: {  	_ =	shalt  }
0x81: {  	_ =	shalt  }
0x82: {  	_ =	shalt  }
0x83: {  	_ =	shalt  }
0x84: {  	_ =	shalt  }
0x85: {  	_ =	shalt  }
0x86: {  	_ =	shalt  }
0x87: {  	_ =	shalt  }
.Lfunc_end0:
.L_simem_size_0:
called_computation.2_lowered:
.L_overlay_start_0:
0x88: {  	s2 =	sld [smem:$0x3FD9]  }
0x89: {  	s3 =	sld [smem:$0x3FFE];
	_ =	sdelay $0x1  }
0x8a: {  	s1 =	srdreg.scid  }
0x8b: {  	s0 =	sand.u32 $0x1, s1  }
0x8c: {  	s16 =	sshll.u32 s0, $0xA;
	s2 =	sadd.s32 s3, s2  }
0x8d: {  	s2 =	sadd.s32 s2, s16  }
0x8e: {  	[smem:$0x3FC2] =	sst s2  }
0x8f: {  	_ = 	snop  }
0x90: {  	(tm) =	ssettm $0x1  }
0x91: {  	s17 =	sld [smem:$0x3FFB];
	_ =	sdelay $0x3  }
0x92: {  	_ =	strace s17  }
0x93: {  	s2 =	sld [smem:$0x3FFC];
	_ =	sdelay $0x3  }
0x94: {  	_ =	strace s2  }
0x95: {  	s2 =	sld [smem:$0x3FFD];
	_ =	sdelay $0x3  }
0x96: {  	_ =	strace s2  }
0x97: {  	_ =	strace $0x8FFFFFFF  }
0x98: {  	s18 =	sld [smem:$0x3FDB];
	_ =	sdelay $0x1  }
0x99: {  	s19 =	simm.s32 $_scs_section_size  }
0x9a: {  	s4 =	simm.s32 $_size__tile_overlayer_lowered;
	s5 =	simm.s32 $_tile_overlayer_lowered  }
0x9b: {  	s22 =	simm.s32 $0x1BFF;
	s21 =	sshll.u32 s5, $0x1;
	s2 =	sadd.s32 s19, s18  }
0x9c: {  	s6 =	simm.s32 $0x0;
	s20 =	sshll.u32 s4, $0x1;
	s4 =	sadd.s32 s21, s2  }
0x9d: {  	[timem:s6], [sflag:s22] =	dma.local [hbm:s4], s20  }
0x9e: {  	_ =	swait.ge [sflag:s22], s20  }
0x9f: {  	s3 =	ssub.s32 $0x0, s20;
	[sflag:s22] =	ssyncset.done $0x0  }
0xa0: {  	[sflag:s22] =	ssyncadd.s32 s3;
	_ =	sdelay $0x1  }
0xa1: {  	s23 =	simm.s32 $0x1B8B  }
0xa2: {  	_ =	swait.ge [sflag:s23], $0x1  }
0xa3: {  	[sflag:s23] =	ssyncset.done $0x0  }
0xa4: {  	s25 =	simm.s32 $0x1B8E;
	s24 =	sld [smem:$0x3FFE];
	[sflag:s23] =	ssyncadd.s32 $0xFFFFFFFF  }
0xa5: {  	s26 =	simm.s32 $execute0_lowered;
	[smem:$0x3FD2] =	sst s25  }
0xa6: {  	s4 =	sshll.u32 s26, $0x1;
	_ =	strace $0x8000004C;
	[dreg:$0x1] =	wrdreg $0xFFFFFFFF  }
0xa7: {  	s28 =	simm.s32 $_size_execute0_lowered;
	s2 =	sadd.s32 s2, s4;
	[dreg:$0x0] =	wrdreg $0x0  }
0xa8: {  	s4 =	sshll.u32 s28, $0x1;
	[dreg:$0x2] =	wrdreg s2  }
0xa9: {  	[dreg:$0x3] =	wrdreg s4  }
0xaa: {  	[dreg:$0x4] =	wrdreg $0xC0  }
0xab: {  	_ =	task [dreg:s6], $0x5FFFF  }
0xac: {  	[dreg:$0x1] =	wrdreg $0xFFFFFFFF  }
0xad: {  	[dreg:$0x0] =	wrdreg $0x60  }
0xae: {  	[dreg:$0x2] =	wrdreg s24  }
0xaf: {  	[dreg:$0x3] =	wrdreg $0x9  }
0xb0: {  	_ =	task.clear_ibuf [dreg:s6], $0x4FFFF;
	_ =	strace $0x9000004C  }
0xb1: {  	s29 =	simm.s32 $0x9;
	_ =	strace $0x8000004E  }
0xb2: {  	_ =	swait.ge [sflag:s29], $0x1  }
0xb3: {  	[sflag:s29] =	ssyncadd.s32 $0xFFFFFFFF  }
0xb4: {  	_ =	strace $0x9000004E  }
0xb5: {  	_ =	sfence  }
0xb6: {  	s30 =	sld [smem:$0x0];
	_ =	sdelay $0x2  }
0xb7: {  	s31 =	sshll.u32 s1, $0xD;
	s1 =	sshrl.u32 s1, $0x2  }
0xb8: {  	s3 =	sand.u32 $0x4000, s31;
	s1 =	sadd.s32 s1, s30  }
0xb9: {  	s0 =	sor.u32 s3, s0;
	s1 =	sshll.u32 s1, $0x11  }
0xba: {  	s0 =	sor.u32 s1, s0  }
0xbb: {  	s0 =	sadd.s32 $0x8F2B, s0  }
0xbc: {  	[sflag:s0] =	ssyncadd.remote.s32 $0x1  }
0xbd: {  	_ =	sfence.sel $0xFFFF  }
0xbe: {  	[dreg:$0x0] =	wrdreg $0xFFFFFFFF;
	(pc) =	sbr.abs _section_cstart, $3  }
0xbf: {  	[dreg:$0x1] =	wrdreg $0xFFFFFFFF  }
0xc0: {  	_ =	task.clear_ibuf [dreg:s6], $0x2FFFF;
	_ =	strace $0x9FFFFFFF  }
0xc1: {  	(tm) =	ssettm $0x7FFFFFFF  }
tec
execute0_lowered:
.L_overlay_start_1:
0x0: {  	(tag) =	ssettag $0x1  }
0x1: {  	s0 =	srdreg.scid  }
0x2: {  	s5 =	rddreg [dreg:$0x0];
	s1 =	stileid.u32;
	s2 =	simm.s32 $0x0  }
0x3: {  	s10 =	simm.s32 $0x1;
	s11 =	simm.s32 $0x4F00;
	s3 =	sand.u32 $0x1, s0  }
0x4: {  	s12 =	simm.s32 $0x2780;
	s0 =	rddreg [dreg:$0x1];
	s4 =	sshll.u32 s3, $0x4  }
0x5: {  	s13 =	simm.s32 $0x0;
	[smem:$0x7FF] =	sst s2;
	s4 =	sor.u32 s1, s4  }
0x6: {  	_ =	strace $0x8000004D;
	s8 =	ssub.s32 $0x2, s3;
	s6 =	smul.u32 $0x4E2, s4  }
0x7: {  	s3 =	sadd.s32 $0x16000, s5;
	s9 =	sshrl.u32 s8, $0x1;
	s7 =	smul.u32 $0xA00, s4  }
0x8: {  	s4 =	sadd.s32 $0x16A00, s5;
	s8 =	ssub.s32 s8, s9;
	s9 =	simm.s32 $0x9F00  }
0x9: {  	s8 =	smax.u32 s8, $0x1;
	s6 =	sadd.s32 s6, s5;
	s7 =	sadd.s32 s7, s5  }
0xa: {  	s5 =	sadd.s32 $0x2400, s6;
	s6 =	sadd.s32 $0xC200, s6;
	s7 =	sadd.s32 $0x17400, s7  }
.LBB2_1:
0xb: {  	[tilespmem:s9], [sflag:$0x1] =	stream.linear.gather [hbm4b:s4+s2], $0x5000, $0x38;
	[tilespmem:$0xEF00] =	vst v63  }
0xc: {  	_ =	swait.ge [sflag:s10], $0x5000  }
0xd: {  	[sflag:s10] =	ssyncset.done $0x0  }
0xe: {  	[sflag:s10] =	ssyncadd.s32 $0xFFFFB000  }
0xf: {  	[tilespmem:s11], [sflag:$0x1] =	stream.linear.gather [hbm4b:s3+s2], $0x5000, $0x38;
	[tilespmem:$0xEF00] =	vst v63  }
0x10: {  	_ =	swait.ge [sflag:s10], $0x5000  }
0x11: {  	[sflag:s10] =	ssyncset.done $0x0  }
0x12: {  	[sflag:s10] =	ssyncadd.s32 $0xFFFFB000  }
0x13: {  	[tilespmem:s2], [sflag:$0x1] =	stream.linear.gather [hbm4b:s5+s2], $0x2710, $0x38;
	[tilespmem:$0xEF00] =	vst v63  }
0x14: {  	_ =	swait.ge [sflag:s10], $0x2710  }
0x15: {  	[sflag:s10] =	ssyncset.done $0x0  }
0x16: {  	[sflag:s10] =	ssyncadd.s32 $0xFFFFD8F0  }
0x17: {  	[tilespmem:s12], [sflag:$0x1] =	stream.linear.gather [hbm4b:s6+s2], $0x2710, $0x38;
	[tilespmem:$0xEF00] =	vst v63  }
0x18: {  	_ =	swait.ge [sflag:s10], $0x2710  }
0x19: {  	[sflag:s10] =	ssyncset.done $0x0  }
0x1a: {  	s15 =	simm.s32 $0x0;
	s14 =	simm.s32 $0x40;
	[sflag:s10] =	ssyncadd.s32 $0xFFFFD8F0  }
.LBB2_2:
0x1b: {  	p0 =	sne.s32 s14, $0x9C00;
	v0 =	vld [tilespmem:s15+$0x0]  }
0x1c: {  	v1 =	vld [tilespmem:s15+$0x2780];
	_ =	sdelay $0x3  }
0x1d: {  	v2 =	vshll.u32 v0, $0x1  }
0x1e: {  	v0 =	vand.u32 $0x7F, v0;
	v2 =	vand.u32 $0xFFFFFF00, v2  }
0x1f: {  	v0 =	vor.u32 v0, v2;
	_ =	sdelay $0x3  }
0x20: {  	v2 =	vshll.u32 v1, $0x1  }
0x21: {  	v1 =	vand.u32 $0x7F, v1;
	v2 =	vand.u32 $0xFFFFFF00, v2;
	v3 =	vld.idx.msk [tilespmem:v0+s11+$0x0], $0xffff  }
0x22: {  	v1 =	vor.u32 v1, v2  }
0x23: {  	v0 =	vor.u32 $0x80, v0;
	_ =	sdelay $0x3  }
0x24: {  	[tilespmem:v1+s9+$0x0] =	vst.idx.add.f32.msk $0xffff, v3  }
0x25: {  	v0 =	vld.idx.msk [tilespmem:v0+s11+$0x0], $0xffff  }
0x26: {  	v1 =	vor.u32 $0x80, v1  }
.Ltmp0:
0x27: {  	(pc) =	sbr.rel @p0 .LBB2_2-.Ltmp0, $2  }
0x28: {  	_ =	sdelay $0x2  }
0x29: {  	s15 =	sshra.s32 s14, $0x2;
	s14 =	sadd.s32 $0x40, s14;
	[tilespmem:v1+s9+$0x0] =	vst.idx.add.f32.msk $0xffff, v0  }
0x2a: {  	v0 =	vld [tilespmem:s15+$0x0];
	_ =	sdelay $0x4  }
0x2b: {  	v1 =	vld [tilespmem:s15+$0x2780];
	v2 =	vshll.u32 v0, $0x1  }
0x2c: {  	v0 =	vand.u32 $0x7F, v0;
	v2 =	vand.u32 $0xFFFFFF00, v2  }
0x2d: {  	v0 =	vor.u32 v0, v2;
	_ =	sdelay $0x2  }
0x2e: {  	v63 =	vshll.u32 v1, $0x1  }
0x2f: {  	v1 =	vand.u32 $0x7F, v1;
	v2 =	vand.u32 $0xFFFFFF00, v63  }
0x30: {  	v1 =	vor.u32 v1, v2;
	v3 =	vld.idx.msk [tilespmem:v0+s11+$0x0], $0xffff  }
0x31: {  	v0 =	vor.u32 $0x80, v0;
	_ =	sdelay $0x3  }
0x32: {  	[tilespmem:v1+s9+$0x0] =	vst.idx.add.f32.msk $0xffff, v3  }
0x33: {  	v1 =	vor.u32 $0x80, v1;
	v0 =	vld.idx.msk [tilespmem:v0+s11+$0x0], $0xffff;
	_ =	sdelay $0x2  }
0x34: {  	s13 =	sadd.s32 $0x1, s13  }
0x35: {  	p0 =	sne.s32 s13, s8  }
.Ltmp1:
0x36: {  	[tilespmem:v1+s9+$0x0] =	vst.idx.add.f32.msk $0xffff, v0;
	(pc) =	sbr.rel @p0 .LBB2_1-.Ltmp1, $4  }
0x37: {  	[hbm4b:s7+s2] =	stream.linear.scatter [tilespmem:s9], [sflag:$0x1], $0x5000, $0x38;
	[tilespmem:$0xEF00] =	vst v63  }
0x38: {  	_ =	swait.ge [sflag:s10], $0x5000  }
0x39: {  	[sflag:s10] =	ssyncset.done $0x0  }
0x3a: {  	[sflag:s10] =	ssyncadd.s32 $0xFFFFB000  }
0x3b: {  	_ =	sfence.sel $0x180000  }
0x3c: {  	[bflag:$0x0] =	sbarrier.arrive $0xFFFF  }
0x3d: {  	p0 =	sne.s32 s1, $0x0;
	_ =	strace $0x9000004D  }
0x3e: {  	s0 =	sadd.s32 @!p0 $0x100000, s0;
	[bflag:$0x2] =	sbarrier.arrive $0xFFFF  }
0x3f: {  	[sflag:s0] =	ssyncadd.tile.s32 @!p0 $0x1;
	_ =	shalt  }
.Lfunc_end2:
_tile_overlayer_lowered:
.L_overlay_start_2:
0x40: {  	(tag) =	ssettag $0x2  }
0x41: {  	s0 =	rddreg [dreg:$0x0];
	s2 =	stileid.u32  }
0x42: {  	s1 =	rddreg [dreg:$0x1];
	p0 =	sne.s32 s2, $0x0  }
0x43: {  	s3 =	rddreg [dreg:$0x2];
	[bflag:$0x3] =	sbarrier.arrive $0xFFFF;
	s2 =	simm.s32 @!p0 $0x1C01  }
0x44: {  	[timem:s3], [sflag:s2] =	dma.local @!p0 [hbm:s0], s1  }
0x45: {  	s0 =	simm.s32 @!p0 $0x1  }
0x46: {  	_ =	swait.ge @!p0 [sflag:s0], s1  }
0x47: {  	s1 =	ssub.s32 @!p0 $0x0, s1;
	[sflag:s0] =	ssyncset.done @!p0 $0x0  }
0x48: {  	[sflag:s0] =	ssyncadd.s32 @!p0 s1  }
0x49: {  	[bflag:$0x3] =	sbarrier.arrive $0xFFFF  }
0x4a: {  	_ =	shalt  }

// kernel: kernel.8.cloned.1.call-start
scs
__scs_entry_jumppad:
0x0: {  	(pc) =	sbr.rel $0x88, $3  }
0x1: {  	(tag) =	ssettag $0x0;
	lr =	simm.s32 $0x1  }
0x2: {  	[smem:$0x3F9B] =	sst lr;
	_ =	strace $0xD0000000  }
0x3: {  	_ = 	snop  }
0x4: {  	_ = 	snop  }
0x5: {  	_ = 	snop  }
0x6: {  	_ = 	snop  }
0x7: {  	_ = 	snop  }
__scs_overlays_trampoline_lowered:
0x8: {  	[smem:$0x3FAA] =	sst s0  }
0x9: {  	[smem:$0x3FAB] =	sst s1  }
0xa: {  	[smem:$0x3FAC] =	sst s2  }
0xb: {  	[smem:$0x3FAD] =	sst s3  }
0xc: {  	[smem:$0x3FAE] =	sst s4  }
0xd: {  	[smem:$0x3FAF] =	sst s5  }
0xe: {  	[smem:$0x3FB0] =	sst s6  }
0xf: {  	[smem:$0x3FB1] =	sst s7  }
0x10: {  	[smem:$0x3FB2] =	sst s8  }
0x11: {  	[smem:$0x3FB3] =	sst s9;
	s0 =	simm.s32 @!p0 $0x0  }
0x12: {  	s1 =	sld [smem:$0x3F99];
	s0 =	simm.s32 @p0 $0x1  }
0x13: {  	[smem:$0x3FB4] =	sst s0;
	s0 =	simm.s32 @!p1 $0x0  }
0x14: {  	s2 =	sld [smem:$0x3F98];
	s0 =	simm.s32 @p1 $0x1  }
0x15: {  	[smem:$0x3FB5] =	sst s0;
	s0 =	simm.s32 @!p2 $0x0  }
0x16: {  	s3 =	sld [smem:$0x3FDB];
	s0 =	simm.s32 @p2 $0x1  }
0x17: {  	s4 =	simm.s32 $0x1BF5;
	[smem:$0x3FB7] =	sst s0  }
0x18: {  	s0 =	sld [smem:$0x3F9A];
	_ =	swait.ge [sflag:s4], $0x0  }
0x19: {  	s7 =	sld [smem:$0x3F9B]  }
0x1a: {  	s8 =	sadd.s32 $0xFFFFE003, lr  }
0x1b: {  	s9 =	sadd.s32 $0xFFFFFEF7, lr;
	s5 =	simm.s32 $0xFFFFFFFF;
	p2 =	slt.u32 s8, $0xFFFFF086  }
0x1c: {  	p1 =	slt.u32 s9, $0xF7A;
	s5 =	simm.s32 @!p2 $0x0  }
0x1d: {  	s5 =	simm.s32 @p1 $0x1;
	p0 =	seq.s32 s7, s2  }
0x1e: {  	s7 =	smul.u32 @!p0 $0xF7A, s2;
	p2 =	seq.s32 @!p0 s5, $0x0  }
0x1f: {  	s9 =	smul.u32 $0xF7A, s1;
	s8 =	simm.s32 @!p0 $0x1BF5;
	p2 =	por !p2, p0  }
0x20: {  	[sflag:s8] =	ssyncset.s32 @!p0 $0xFFFFF086;
	s6 =	sadd.s32 @!p0 s3, s7;
	s7 =	simm.s32 @!p0 $0x108  }
0x21: {  	s3 =	sadd.s32 s3, s9;
	s6 =	sadd.s32 @!p0 $0x88, s6;
	s7 =	simm.s32 @p2 $0x1082  }
0x22: {  	[simem:s7], [sflag:s8] =	dma.local @!p0 [hbm:s6], $0xF7A  }
0x23: {  	s9 =	sor.u32 $0xD0000000, s2;
	s6 =	simm.s32 $0x108;
	_ =	swait.ge @!p0 [sflag:s8], $0x0  }
0x24: {  	s3 =	sadd.s32 $0x88, s3;
	s6 =	simm.s32 @!p1 $0x1082;
	[sflag:s4] =	ssyncset.s32 $0xFFFFF086  }
0x25: {  	[simem:s6], [sflag:s4] =	dma.local [hbm:s3], $0xF7A  }
0x26: {  	[smem:$0x3F9B] =	sst s1;
	(tag) =	ssettag s2;
	_ =	strace s9  }
0x27: {  	s1 =	sld [smem:$0x3FAB]  }
0x28: {  	s2 =	sld [smem:$0x3FAC]  }
0x29: {  	s4 =	sld [smem:$0x3FAE]  }
0x2a: {  	p0 =	seq.s32 s5, $0x0;
	s5 =	sld [smem:$0x3FAF]  }
0x2b: {  	s6 =	sld [smem:$0x3FB0]  }
0x2c: {  	s7 =	sld [smem:$0x3FB1]  }
0x2d: {  	s3 =	simm.s32 $0x108;
	s8 =	sld [smem:$0x3FB2]  }
0x2e: {  	s3 =	simm.s32 @!p0 $0x1082;
	s9 =	sld [smem:$0x3FB3]  }
0x2f: {  	lr =	sadd.s32 s0, s3;
	s0 =	sld [smem:$0x3FAA]  }
0x30: {  	s3 =	sld [smem:$0x3FAD]  }
0x31: {  	[smem:$0x3FB6] =	sst s10  }
0x32: {  	s10 =	sld [smem:$0x3FB4];
	_ =	sdelay $0x3  }
0x33: {  	p0 =	seq.s32 s10, $0x1;
	s10 =	sld [smem:$0x3FB6];
	_ =	sdelay $0x3  }
0x34: {  	[smem:$0x3FB6] =	sst s10  }
0x35: {  	s10 =	sld [smem:$0x3FB5];
	_ =	sdelay $0x3  }
0x36: {  	p1 =	seq.s32 s10, $0x1;
	s10 =	sld [smem:$0x3FB6];
	_ =	sdelay $0x3  }
0x37: {  	[smem:$0x3FB6] =	sst s10  }
0x38: {  	s10 =	sld [smem:$0x3FB7]  }
0x39: {  	_ = 	snop;
	(pc) =	sbr.ind lr, $3  }
0x3a: {  	_ = 	snop  }
0x3b: {  	_ = 	snop  }
0x3c: {  	p2 =	seq.s32 s10, $0x1;
	s10 =	sld [smem:$0x3FB6]  }
0x3d: {  	_ =	shalt  }
0x3e: {  	_ =	shalt  }
0x3f: {  	_ =	shalt  }
0x40: {  	_ =	shalt  }
0x41: {  	_ =	shalt  }
0x42: {  	_ =	shalt  }
0x43: {  	_ =	shalt  }
0x44: {  	_ =	shalt  }
0x45: {  	_ =	shalt  }
0x46: {  	_ =	shalt  }
0x47: {  	_ =	shalt  }
0x48: {  	_ =	shalt  }
0x49: {  	_ =	shalt  }
0x4a: {  	_ =	shalt  }
0x4b: {  	_ =	shalt  }
0x4c: {  	_ =	shalt  }
0x4d: {  	_ =	shalt  }
0x4e: {  	_ =	shalt  }
0x4f: {  	_ =	shalt  }
0x50: {  	_ =	shalt  }
0x51: {  	_ =	shalt  }
0x52: {  	_ =	shalt  }
0x53: {  	_ =	shalt  }
0x54: {  	_ =	shalt  }
0x55: {  	_ =	shalt  }
0x56: {  	_ =	shalt  }
0x57: {  	_ =	shalt  }
0x58: {  	_ =	shalt  }
0x59: {  	_ =	shalt  }
0x5a: {  	_ =	shalt  }
0x5b: {  	_ =	shalt  }
0x5c: {  	_ =	shalt  }
0x5d: {  	_ =	shalt  }
0x5e: {  	_ =	shalt  }
0x5f: {  	_ =	shalt  }
0x60: {  	_ =	shalt  }
0x61: {  	_ =	shalt  }
0x62: {  	_ =	shalt  }
0x63: {  	_ =	shalt  }
0x64: {  	_ =	shalt  }
0x65: {  	_ =	shalt  }
0x66: {  	_ =	shalt  }
0x67: {  	_ =	shalt  }
0x68: {  	_ =	shalt  }
0x69: {  	_ =	shalt  }
0x6a: {  	_ =	shalt  }
0x6b: {  	_ =	shalt  }
0x6c: {  	_ =	shalt  }
0x6d: {  	_ =	shalt  }
0x6e: {  	_ =	shalt  }
0x6f: {  	_ =	shalt  }
0x70: {  	_ =	shalt  }
0x71: {  	_ =	shalt  }
0x72: {  	_ =	shalt  }
0x73: {  	_ =	shalt  }
0x74: {  	_ =	shalt  }
0x75: {  	_ =	shalt  }
0x76: {  	_ =	shalt  }
0x77: {  	_ =	shalt  }
0x78: {  	_ =	shalt  }
0x79: {  	_ =	shalt  }
0x7a: {  	_ =	shalt  }
0x7b: {  	_ =	shalt  }
0x7c: {  	_ =	shalt  }
0x7d: {  	_ =	shalt  }
0x7e: {  	_ =	shalt  }
0x7f: {  	_ =	shalt  }
0x80: {  	_ =	shalt  }
0x81: {  	_ =	shalt  }
0x82: {  	_ =	shalt  }
0x83: {  	_ =	shalt  }
0x84: {  	_ =	shalt  }
0x85: {  	_ =	shalt  }
0x86: {  	_ =	shalt  }
0x87: {  	_ =	shalt  }
.Lfunc_end0:
.L_simem_size_0:
called_computation_lowered:
.L_overlay_start_0:
0x88: {  	s2 =	sld [smem:$0x3FD9]  }
0x89: {  	s3 =	sld [smem:$0x3FFE];
	_ =	sdelay $0x1  }
0x8a: {  	s1 =	srdreg.scid  }
0x8b: {  	s0 =	sand.u32 $0x1, s1  }
0x8c: {  	s17 =	sshll.u32 s0, $0xA;
	s2 =	sadd.s32 s3, s2  }
0x8d: {  	s2 =	sadd.s32 s2, s17  }
0x8e: {  	[smem:$0x3FC2] =	sst s2  }
0x8f: {  	_ = 	snop  }
0x90: {  	s2 =	sld [smem:$0x3FD0];
	(tm) =	ssettm $0x1  }
0x91: {  	s18 =	sld [smem:$0x3FFB];
	_ =	sdelay $0x3  }
0x92: {  	_ =	strace s18  }
0x93: {  	s3 =	sld [smem:$0x3FFC];
	_ =	sdelay $0x3  }
0x94: {  	_ =	strace s3  }
0x95: {  	s3 =	sld [smem:$0x3FFD];
	_ =	sdelay $0x3  }
0x96: {  	_ =	strace s3  }
0x97: {  	_ =	strace $0x8FFFFFFF  }
0x98: {  	s19 =	sld [smem:$0x3FDB];
	_ =	sdelay $0x1  }
0x99: {  	s4 =	simm.s32 $_scs_section_size  }
0x9a: {  	s5 =	simm.s32 $_size__tile_overlayer_lowered;
	s6 =	simm.s32 $_tile_overlayer_lowered  }
0x9b: {  	s22 =	simm.s32 $0x1BFF;
	s21 =	sshll.u32 s6, $0x1;
	s3 =	sadd.s32 s4, s19  }
0x9c: {  	s7 =	simm.s32 $0x0;
	s20 =	sshll.u32 s5, $0x1;
	s5 =	sadd.s32 s21, s3  }
0x9d: {  	[timem:s7], [sflag:s22] =	dma.local [hbm:s5], s20  }
0x9e: {  	_ =	swait.ge [sflag:s22], s20  }
0x9f: {  	s4 =	ssub.s32 $0x0, s20;
	[sflag:s22] =	ssyncset.done $0x0  }
0xa0: {  	[sflag:s22] =	ssyncadd.s32 s4;
	_ =	sdelay $0x1  }
0xa1: {  	s23 =	simm.s32 $0x1B8B  }
0xa2: {  	_ =	swait.ge [sflag:s23], $0x1  }
0xa3: {  	[sflag:s23] =	ssyncset.done $0x0  }
0xa4: {  	s25 =	simm.s32 $0x1B8E;
	s24 =	sld [smem:$0x3FFE];
	[sflag:s23] =	ssyncadd.s32 $0xFFFFFFFF  }
0xa5: {  	s26 =	simm.s32 $execute0_lowered;
	[smem:$0x3FD2] =	sst s25  }
0xa6: {  	s5 =	sshll.u32 s26, $0x1;
	_ =	strace $0x80000046;
	[dreg:$0x1] =	wrdreg $0xFFFFFFFF  }
0xa7: {  	s28 =	simm.s32 $_size_execute0_lowered;
	s3 =	sadd.s32 s3, s5;
	[dreg:$0x0] =	wrdreg $0x0  }
0xa8: {  	s5 =	sshll.u32 s28, $0x1;
	[dreg:$0x2] =	wrdreg s3  }
0xa9: {  	[dreg:$0x3] =	wrdreg s5  }
0xaa: {  	[dreg:$0x4] =	wrdreg $0xC0  }
0xab: {  	_ =	task [dreg:s7], $0x5FFFF  }
0xac: {  	[dreg:$0x1] =	wrdreg $0xFFFFFFFF  }
0xad: {  	[dreg:$0x0] =	wrdreg $0x60  }
0xae: {  	[dreg:$0x2] =	wrdreg s24  }
0xaf: {  	[dreg:$0x3] =	wrdreg s2  }
0xb0: {  	[dreg:$0x4] =	wrdreg $0x9  }
0xb1: {  	_ =	task.clear_ibuf [dreg:s7], $0x5FFFF;
	_ =	strace $0x90000046  }
0xb2: {  	s29 =	simm.s32 $0x9;
	_ =	strace $0x80000048  }
0xb3: {  	_ =	swait.ge [sflag:s29], $0x1  }
0xb4: {  	[sflag:s29] =	ssyncadd.s32 $0xFFFFFFFF  }
0xb5: {  	_ =	strace $0x90000048  }
0xb6: {  	_ =	sfence  }
0xb7: {  	s30 =	sld [smem:$0x0];
	_ =	sdelay $0x2  }
0xb8: {  	s31 =	sshll.u32 s1, $0xD;
	s1 =	sshrl.u32 s1, $0x2  }
0xb9: {  	s3 =	sand.u32 $0x4000, s31;
	s1 =	sadd.s32 s1, s30  }
0xba: {  	s0 =	sor.u32 s3, s0;
	s1 =	sshll.u32 s1, $0x11  }
0xbb: {  	s0 =	sor.u32 s1, s0  }
0xbc: {  	s0 =	sadd.s32 $0x8F2B, s0  }
0xbd: {  	[sflag:s0] =	ssyncadd.remote.s32 $0x1  }
0xbe: {  	_ =	sfence.sel $0xFFFF  }
0xbf: {  	[dreg:$0x0] =	wrdreg $0xFFFFFFFF;
	(pc) =	sbr.abs _section_cstart, $3  }
0xc0: {  	[dreg:$0x1] =	wrdreg $0xFFFFFFFF  }
0xc1: {  	_ =	task.clear_ibuf [dreg:s7], $0x2FFFF;
	_ =	strace $0x9FFFFFFF  }
0xc2: {  	(tm) =	ssettm $0x7FFFFFFF  }
0xc3: {  	_ =	shalt  }
tec
execute0_lowered:
.L_overlay_start_1:
0x0: {  	(tag) =	ssettag $0x1  }
0x1: {  	s0 =	srdreg.scid  }
0x2: {  	s5 =	sand.u32 $0x1, s0  }
0x3: {  	s4 =	rddreg [dreg:$0x0];
	s1 =	stileid.u32;
	s3 =	sshll.u32 s5, $0x4  }
0x4: {  	s2 =	rddreg [dreg:$0x1];
	s6 =	sor.u32 s1, s3  }
0x5: {  	s8 =	simm.s32 $0x1;
	s9 =	simm.s32 $0x0;
	s6 =	smul.u32 $0x4E2, s6  }
0x6: {  	s0 =	rddreg [dreg:$0x2];
	s5 =	ssub.s32 $0x2, s5;
	s3 =	simm.s32 $0x0  }
0x7: {  	s7 =	sshrl.u32 s5, $0x1;
	[smem:$0x7FF] =	sst s3;
	s6 =	sadd.s32 s6, s4  }
0x8: {  	s7 =	ssub.s32 s5, s7;
	_ =	strace $0x80000047;
	s4 =	sadd.s32 $0xC200, s6  }
0x9: {  	v0 =	vimm.f32 $1.000000000e+00;
	s5 =	sadd.s32 $0x16000, s6;
	s6 =	smax.u32 s7, $0x1;
	s7 =	simm.s32 $0x2780  }
.LBB2_1:
0xa: {  	[tilespmem:s7], [sflag:$0x1] =	stream.linear.gather [hbm4b:s2+s3], $0x2780, $0x38;
	[tilespmem:$0x4F00] =	vst v63  }
0xb: {  	_ =	swait.ge [sflag:s8], $0x2780  }
0xc: {  	[sflag:s8] =	ssyncset.done $0x0  }
0xd: {  	[sflag:s8] =	ssyncadd.s32 $0xFFFFD880  }
0xe: {  	[tilespmem:s3], [sflag:$0x1] =	stream.linear.gather [hbm4b:s4+s3], $0x2710, $0x38;
	[tilespmem:$0x4F00] =	vst v63  }
0xf: {  	_ =	swait.ge [sflag:s8], $0x2710  }
0x10: {  	[sflag:s8] =	ssyncset.done $0x0  }
0x11: {  	s11 =	simm.s32 $0x0;
	s10 =	simm.s32 $0x40;
	[sflag:s8] =	ssyncadd.s32 $0xFFFFD8F0  }
.LBB2_2:
0x12: {  	p0 =	sne.s32 s10, $0x9C00;
	v1 =	vld [tilespmem:s11+$0x0];
	_ =	sdelay $0x3  }
.Ltmp0:
0x13: {  	(pc) =	sbr.rel @p0 .LBB2_2-.Ltmp0, $2  }
0x14: {  	_ =	sdelay $0x2  }
0x15: {  	s11 =	sshra.s32 s10, $0x2;
	s10 =	sadd.s32 $0x40, s10;
	[tilespmem:v1+s7+$0x0] =	vst.idx.add.f32.msk $0xffff, v0  }
0x16: {  	v1 =	vld [tilespmem:s11+$0x0];
	_ =	sdelay $0x5  }
0x17: {  	s9 =	sadd.s32 $0x1, s9  }
0x18: {  	p0 =	sne.s32 s9, s6  }
.Ltmp1:
0x19: {  	[tilespmem:v1+s7+$0x0] =	vst.idx.add.f32.msk $0xffff, v0;
	(pc) =	sbr.rel @p0 .LBB2_1-.Ltmp1, $4  }
0x1a: {  	[hbm4b:s5+s3] =	stream.linear.scatter [tilespmem:s7], [sflag:$0x1], $0x2710, $0x38;
	[tilespmem:$0x4F00] =	vst v63  }
0x1b: {  	_ =	swait.ge [sflag:s8], $0x2710  }
0x1c: {  	[sflag:s8] =	ssyncset.done $0x0  }
0x1d: {  	[sflag:s8] =	ssyncadd.s32 $0xFFFFD8F0  }
0x1e: {  	_ =	sfence.sel $0x180000  }
0x1f: {  	[bflag:$0x0] =	sbarrier.arrive $0xFFFF  }
0x20: {  	p0 =	sne.s32 s1, $0x0;
	_ =	strace $0x90000047  }
0x21: {  	s0 =	sadd.s32 @!p0 $0x100000, s0;
	[bflag:$0x2] =	sbarrier.arrive $0xFFFF  }
0x22: {  	[sflag:s0] =	ssyncadd.tile.s32 @!p0 $0x1;
	_ =	shalt  }
.Lfunc_end2:
_tile_overlayer_lowered:
.L_overlay_start_2:
0x23: {  	(tag) =	ssettag $0x2  }
0x24: {  	s0 =	rddreg [dreg:$0x0];
	s2 =	stileid.u32  }
0x25: {  	s1 =	rddreg [dreg:$0x1];
	p0 =	sne.s32 s2, $0x0  }
0x26: {  	s3 =	rddreg [dreg:$0x2];
	[bflag:$0x3] =	sbarrier.arrive $0xFFFF;
	s2 =	simm.s32 @!p0 $0x1C01  }
0x27: {  	[timem:s3], [sflag:s2] =	dma.local @!p0 [hbm:s0], s1  }
0x28: {  	s0 =	simm.s32 @!p0 $0x1  }
0x29: {  	_ =	swait.ge @!p0 [sflag:s0], s1  }
0x2a: {  	s1 =	ssub.s32 @!p0 $0x0, s1;
	[sflag:s0] =	ssyncset.done @!p0 $0x0  }
0x2b: {  	[sflag:s0] =	ssyncadd.s32 @!p0 s1  }
0x2c: {  	[bflag:$0x3] =	sbarrier.arrive $0xFFFF  }
0x2d: {  	_ =	shalt  }

</sc_bundles>
